<compile_context>
chip_gen: v7x
topology: tpu7x:2x2x1
jax: 0.10.2.dev20260603
libtpu: 0.0.44.dev20260713+nightly
codegen_flags: <defaults>
</compile_context>

<pallas_src>
import jax
import jax.numpy as jnp
from jax.experimental import pallas as pl
from jax.experimental.pallas import tpu as pltpu

_E = 64
_K = 2
_D = 1024
_F = 768
_TM = 128
_G = 95
_P = _G * _TM


_RB = 128
_RG = 16


def _router_body(x_ref, gw_ref, sim_ref, vals_ref, idx_ref, map_ref, meta_ref):
    g = pl.program_id(0)
    iota_e = jax.lax.broadcasted_iota(jnp.int32, (_RB, _E), 1)
    logits = jax.lax.dot_general(x_ref[...], gw_ref[...],
                                 (((1,), (1,)), ((), ())),
                                 preferred_element_type=jnp.float32)
    m = jnp.max(logits, axis=1, keepdims=True)
    e = jnp.exp(logits - m)
    p = e / jnp.sum(e, axis=1, keepdims=True)
    v0 = jnp.max(p, axis=1)
    i0 = jnp.min(jnp.where(p == v0[:, None], iota_e, _E), axis=1)
    p1 = jnp.where(iota_e == i0[:, None], -1.0, p)
    v1 = jnp.max(p1, axis=1)
    i1 = jnp.min(jnp.where(p1 == v1[:, None], iota_e, _E), axis=1)
    s = jnp.maximum(v0 + v1, 1e-12)
    vals_ref[0, 0, :] = v0 / s
    vals_ref[0, 1, :] = v1 / s
    idx_ref[0, 0, :] = i0
    idx_ref[0, 1, :] = i1

    pm_c = jnp.sum((iota_e == i0[:, None]).astype(jnp.int32), axis=0)
    sm_c = jnp.sum((iota_e == i1[:, None]).astype(jnp.int32), axis=0)

    @pl.when(g == 0)
    def _init():
        map_ref[...] = jnp.zeros_like(map_ref)

    map_ref[1, :] = map_ref[1, :] + pm_c
    map_ref[2, :] = map_ref[2, :] + sm_c

    @pl.when(g == _RG - 1)
    def _finish():
        counts0 = map_ref[1, :]
        counts1 = map_ref[2, :]
        pm = counts0 > 0
        sm = counts1 > 0
        sim = sim_ref[...]
        neg = jnp.float32(-3.0e38)
        cand = jnp.where(pm[None, :], sim, neg)
        best_sim = jnp.max(cand, axis=1)
        iota2 = jax.lax.broadcasted_iota(jnp.int32, (_E, _E), 1)
        best_primary = jnp.min(
            jnp.where(cand == best_sim[:, None], iota2, _E), axis=1)
        any_pm = jnp.sum(pm.astype(jnp.int32)) > 0
        any_sm = jnp.sum(sm.astype(jnp.int32)) > 0
        reroute = sm & (~pm) & any_pm & any_sm & (best_sim >= 0.5)
        ident = jax.lax.broadcasted_iota(jnp.int32, (_E,), 0)
        mapping = jnp.where(reroute, best_primary, ident)
        map_ref[0, :] = mapping

        oh_map = (iota2 == mapping[:, None]).astype(jnp.int32)
        counts_r = counts0 + jnp.sum(oh_map * counts1[:, None], axis=0)
        tile_counts = (counts_r + _TM - 1) // _TM
        r2 = jax.lax.broadcasted_iota(jnp.int32, (_E, _E), 0)
        tile_ends = jnp.sum(
            jnp.where(iota2 <= r2, tile_counts[None, :], 0), axis=1)
        map_ref[3, :] = (tile_ends - tile_counts) * _TM

        nt = jnp.max(tile_ends)
        te_b = jnp.broadcast_to(tile_ends[None, :], (128, _E))
        g_col = jax.lax.broadcasted_iota(jnp.int32, (128, _E), 0)
        gg_col = jnp.minimum(g_col, nt - 1)
        be = jnp.sum((te_b <= gg_col).astype(jnp.int32), axis=1)
        meta_ref[0, :] = be
        meta_ref[1, :] = jnp.full((128,), nt, jnp.int32)


def _router(x, gate_weight, similarity_matrix):
    return pl.pallas_call(
        _router_body,
        grid=(_RG,),
        in_specs=[
            pl.BlockSpec((_RB, _D), lambda g: (g, 0)),
            pl.BlockSpec((_E, _D), lambda g: (0, 0)),
            pl.BlockSpec((_E, _E), lambda g: (0, 0)),
        ],
        out_specs=[
            pl.BlockSpec((1, _K, _RB), lambda g: (g, 0, 0)),
            pl.BlockSpec((1, _K, _RB), lambda g: (g, 0, 0)),
            pl.BlockSpec((8, _E), lambda g: (0, 0)),
            pl.BlockSpec((8, 128), lambda g: (0, 0)),
        ],
        out_shape=[
            jax.ShapeDtypeStruct((_RG, _K, _RB), jnp.float32),
            jax.ShapeDtypeStruct((_RG, _K, _RB), jnp.int32),
            jax.ShapeDtypeStruct((8, _E), jnp.int32),
            jax.ShapeDtypeStruct((8, 128), jnp.int32),
        ],
        compiler_params=pltpu.CompilerParams(
            dimension_semantics=("arbitrary",)),
    )(x, gate_weight, similarity_matrix)


def _dispatch_body(idx_ref, map_ref, dst_ref, run_ref):
    g = pl.program_id(0)
    iota_e = jax.lax.broadcasted_iota(jnp.int32, (_RB, _E), 1)
    i0 = idx_ref[0, 0, :]
    i1 = idx_ref[0, 1, :]
    mapping = map_ref[0, :].astype(jnp.float32)
    pad_off = map_ref[3, :].astype(jnp.float32)

    oh1 = (iota_e == i1[:, None]).astype(jnp.float32)
    e1 = jnp.sum(oh1 * mapping[None, :], axis=1).astype(jnp.int32)
    oh0 = (iota_e == i0[:, None]).astype(jnp.float32)
    oh1m = (iota_e == e1[:, None]).astype(jnp.float32)
    occ = oh0 + oh1m

    r = jax.lax.broadcasted_iota(jnp.int32, (_RB, _RB), 0)
    c = jax.lax.broadcasted_iota(jnp.int32, (_RB, _RB), 1)
    lstrict = (r > c).astype(jnp.float32)
    cnt_lt = jax.lax.dot_general(lstrict, occ, (((1,), (0,)), ((), ())),
                                 preferred_element_type=jnp.float32)

    @pl.when(g == 0)
    def _init():
        run_ref[...] = jnp.zeros_like(run_ref)

    run = run_ref[0, :].astype(jnp.float32)
    base = run[None, :] + cnt_lt + pad_off[None, :]
    dst0 = jnp.sum(oh0 * base, axis=1)
    dst1 = jnp.sum(oh1m * (base + oh0), axis=1)
    dst_ref[0, 0, :] = dst0.astype(jnp.int32)
    dst_ref[0, 1, :] = dst1.astype(jnp.int32)
    run_ref[0, :] = (run + jnp.sum(occ, axis=0)).astype(jnp.int32)


def _dispatch(idx, map_out):
    return pl.pallas_call(
        _dispatch_body,
        grid=(_RG,),
        in_specs=[
            pl.BlockSpec((1, _K, _RB), lambda g: (g, 0, 0)),
            pl.BlockSpec((8, _E), lambda g: (0, 0)),
        ],
        out_specs=pl.BlockSpec((1, _K, _RB), lambda g: (g, 0, 0)),
        out_shape=jax.ShapeDtypeStruct((_RG, _K, _RB), jnp.int32),
        scratch_shapes=[pltpu.VMEM((8, _E), jnp.int32)],
        compiler_params=pltpu.CompilerParams(
            dimension_semantics=("arbitrary",)),
    )(idx, map_out)


def _ffn_body(meta_ref, xpad_ref, gu_ref, dp_ref, ypad_ref):
    g = pl.program_id(0)

    @pl.when(g < meta_ref[1, 0])
    def _compute():
        x = xpad_ref[...]
        y = jax.lax.dot_general(x, gu_ref[0], (((1,), (1,)), ((), ())),
                                preferred_element_type=jnp.float32)
        gate = y[:, :_F]
        up = y[:, _F:]
        h = gate * jax.nn.sigmoid(gate) * up
        o = jax.lax.dot_general(h, dp_ref[0], (((1,), (1,)), ((), ())),
                                preferred_element_type=jnp.float32)
        ypad_ref[...] = o

    @pl.when(g >= meta_ref[1, 0])
    def _skip():
        ypad_ref[...] = jnp.zeros_like(ypad_ref)


def _grouped_ffn(meta, xpad, gate_up_proj, down_proj):
    grid_spec = pltpu.PrefetchScalarGridSpec(
        num_scalar_prefetch=1,
        grid=(_G,),
        in_specs=[
            pl.BlockSpec((_TM, _D), lambda g, m: (g, 0)),
            pl.BlockSpec((1, 2 * _F, _D), lambda g, m: (m[0, g], 0, 0)),
            pl.BlockSpec((1, _D, _F), lambda g, m: (m[0, g], 0, 0)),
        ],
        out_specs=pl.BlockSpec((_TM, _D), lambda g, m: (g, 0)),
    )
    return pl.pallas_call(
        _ffn_body,
        grid_spec=grid_spec,
        out_shape=jax.ShapeDtypeStruct((_P, _D), jnp.float32),
        compiler_params=pltpu.CompilerParams(
            dimension_semantics=("arbitrary",)),
    )(meta, xpad, gate_up_proj, down_proj)


def kernel(hidden_states, gate_weight, gate_up_proj, down_proj, similarity_matrix):
    bsz, seq, dim = hidden_states.shape
    tokens = bsz * seq
    x = hidden_states.reshape(tokens, dim)

    vals, idx, map_out, meta = _router(x, gate_weight, similarity_matrix)
    top_vals = jnp.moveaxis(vals, 1, 2).reshape(tokens, _K)

    dst_out = _dispatch(idx, map_out)
    dst = jnp.moveaxis(dst_out, 1, 2).reshape(_K * tokens)

    pair_tok = (jnp.arange(_K * tokens, dtype=jnp.int32) // _K)
    tok_pad = jnp.zeros((_P,), jnp.int32).at[dst].set(pair_tok)

    xpad = jnp.take(x, tok_pad, axis=0)

    ypad = _grouped_ffn(meta, xpad, gate_up_proj, down_proj)

    inv2 = dst.reshape(tokens, _K)
    out = (jnp.take(ypad, inv2[:, 0], axis=0) * top_vals[:, :1]
           + jnp.take(ypad, inv2[:, 1], axis=0) * top_vals[:, 1:])
    return out.reshape(bsz, seq, dim)

# --- scband reference (transcript-rebuilt; emitter-appended) ---
"""Pipeline reference for scband-sereskipped-qwen3-moe-sparse-moe-block-48593259986979 (READ-ONLY COPY).

The authoritative reference and input builder live on the scoring server;
editing this copy changes nothing except your own understanding.
"""

import jax, jax.numpy as jnp
import numpy as np

NUM_EXPERTS = 64
TOP_K = 2
SELECT_TOP_K = 1
THRESHOLD = 0.5
NORM_TOPK_PROB = True
D_MODEL = 1024
D_FF = 768
B = 1
S = 2048


def setup_inputs(seed: int = 0) -> dict:
    key = jax.random.key(seed)
    ks = jax.random.split(key, 5)
    hidden_states = jax.random.normal(ks[0], (B, S, D_MODEL), dtype=jnp.float32)
    gate_weight = jax.random.normal(ks[1], (NUM_EXPERTS, D_MODEL), dtype=jnp.float32) * 0.02
    gate_up_proj = jax.random.normal(ks[2], (NUM_EXPERTS, 2 * D_FF, D_MODEL), dtype=jnp.float32) * 0.02
    down_proj = jax.random.normal(ks[3], (NUM_EXPERTS, D_MODEL, D_FF), dtype=jnp.float32) * 0.02
    sim = jax.random.uniform(ks[4], (NUM_EXPERTS, NUM_EXPERTS), dtype=jnp.float32)
    sim = 0.5 * (sim + sim.T)
    sim = sim.at[jnp.arange(NUM_EXPERTS), jnp.arange(NUM_EXPERTS)].set(1.0)
    return {"hidden_states": hidden_states, "gate_weight": gate_weight,
            "gate_up_proj": gate_up_proj, "down_proj": down_proj,
            "similarity_matrix": sim}


def _build_expert_mapping(top_idx, similarity_matrix):
    E = NUM_EXPERTS
    ident = jnp.arange(E)
    if SELECT_TOP_K >= TOP_K:
        return ident
    primary_mask = jnp.zeros((E,), dtype=bool).at[top_idx[:, :SELECT_TOP_K].reshape(-1)].set(True)
    secondary_mask = jnp.zeros((E,), dtype=bool).at[top_idx[:, SELECT_TOP_K:].reshape(-1)].set(True)
    sim = similarity_matrix.astype(jnp.float32)
    cand = jnp.where(primary_mask[None, :], sim, -jnp.inf)
    best_sim = jnp.max(cand, axis=1)
    best_primary = jnp.argmax(cand, axis=1)
    reroute = secondary_mask & (~primary_mask) & jnp.any(primary_mask) & jnp.any(secondary_mask)
    if THRESHOLD > 0.0:
        reroute = reroute & (best_sim >= THRESHOLD)
    return jnp.where(reroute, best_primary, ident)


def _moe_forward(hidden_states, gate_weight, gate_up_proj, down_proj, similarity_matrix):
    bsz, seq, dim = hidden_states.shape
    x = hidden_states.reshape(-1, dim)
    router_logits = x @ gate_weight.T
    router_probs = jax.nn.softmax(router_logits.astype(jnp.float32), axis=-1).astype(router_logits.dtype)
    top_vals, top_idx = jax.lax.top_k(router_probs, TOP_K)
    if NORM_TOPK_PROB:
        top_vals = (top_vals / jnp.clip(jnp.sum(top_vals, axis=-1, keepdims=True), 1e-12, None)).astype(router_probs.dtype)
    mapping = _build_expert_mapping(top_idx, similarity_matrix)
    rerouted = mapping[top_idx]
    rerouted = rerouted.at[:, :SELECT_TOP_K].set(top_idx[:, :SELECT_TOP_K])
    final = jnp.zeros_like(x)
    for e in range(NUM_EXPERTS):
        # a token may hit expert e in multiple slots after rerouting; summing its
        # routing weights is equivalent to torch's per-slot index_add accumulation
        w_e = jnp.sum(jnp.where(rerouted == e, top_vals, jnp.zeros_like(top_vals)), axis=1)
        y = x @ gate_up_proj[e].T
        g = y[:, :D_FF]
        u = y[:, D_FF:]
        h = jax.nn.silu(g) * u
        o = h @ down_proj[e].T
        final = final + o * w_e[:, None]
    return final.reshape(bsz, seq, dim)


def reference(hidden_states, gate_weight, gate_up_proj, down_proj, similarity_matrix):
    return _moe_forward(hidden_states, gate_weight, gate_up_proj, down_proj, similarity_matrix)

if __name__ == "__main__":
    import jax
    _d = setup_inputs()
    print(jax.jit(kernel)(*tuple(_d.values())))

</pallas_src>

<mosaic_0001>
module attributes {stable_mosaic.version = 14 : i64} {
  func.func @_dispatch_body(%arg0: i32, %arg1: memref<1x2x128xi32, #tpu.memory_space<vmem>>, %arg2: memref<8x64xi32, #tpu.memory_space<vmem>>, %arg3: memref<1x2x128xi32, #tpu.memory_space<vmem>>, %arg4: memref<8x64xi32, #tpu.memory_space<vmem>>) attributes {dimension_semantics = [#tpu.dimension_semantics<arbitrary>], iteration_bounds = array<i64: 16>, scalar_prefetch = 0 : i64, scratch_operands = 1 : i64, tpu.core_type = #tpu.core_type<tc>, window_params = [{transform_indices = @transform_0, window_bounds = array<i64: 1, 2, 128>}, {pipeline_mode = #tpu.pipeline_mode<synchronous>, transform_indices = @transform_1, window_bounds = array<i64: 8, 64>}, {transform_indices = @transform_2, window_bounds = array<i64: 1, 2, 128>}]} {
    %iota3A = tpu.iota {dimensions = array<i32: 1>} : vector<128x64xi32>
    %get3A = arith.constant 0 : index
    %get3A_0 = arith.constant 0 : index
    %get3A_1 = arith.constant 0 : index
    %get3A_2 = vector.load %arg1[%get3A, %get3A_0, %get3A_1] : memref<1x2x128xi32, #tpu.memory_space<vmem>>, vector<1x1x128xi32>
    %get3A_3 = vector.shape_cast %get3A_2 : vector<1x1x128xi32> to vector<128xi32>
    %get3A_4 = arith.constant 0 : index
    %get3A_5 = arith.constant 1 : index
    %get3A_6 = arith.constant 0 : index
    %get3A_7 = vector.load %arg1[%get3A_4, %get3A_5, %get3A_6] : memref<1x2x128xi32, #tpu.memory_space<vmem>>, vector<1x1x128xi32>
    %get3A_8 = vector.shape_cast %get3A_7 : vector<1x1x128xi32> to vector<128xi32>
    %get3A_9 = arith.constant 0 : index
    %get3A_10 = arith.constant 0 : index
    %get3A_11 = vector.load %arg2[%get3A_9, %get3A_10] : memref<8x64xi32, #tpu.memory_space<vmem>>, vector<1x64xi32>
    %get3A_12 = vector.shape_cast %get3A_11 : vector<1x64xi32> to vector<64xi32>
    %convert_element_type3A = arith.sitofp %get3A_12 : vector<64xi32> to vector<64xf32>
    %get3A_13 = arith.constant 3 : index
    %get3A_14 = arith.constant 0 : index
    %get3A_15 = vector.load %arg2[%get3A_13, %get3A_14] : memref<8x64xi32, #tpu.memory_space<vmem>>, vector<1x64xi32>
    %get3A_16 = vector.shape_cast %get3A_15 : vector<1x64xi32> to vector<64xi32>
    %convert_element_type3A_17 = arith.sitofp %get3A_16 : vector<64xi32> to vector<64xf32>
    %broadcast_in_dim3A = vector.shape_cast %get3A_8 : vector<128xi32> to vector<128x1xi32>
    %eq3A = vector.broadcast %broadcast_in_dim3A : vector<128x1xi32> to vector<128x64xi32>
    %eq3A_18 = arith.cmpi eq, %iota3A, %eq3A : vector<128x64xi32>
    %convert_element_type3A_19 = arith.extui %eq3A_18 : vector<128x64xi1> to vector<128x64xi32>
    %convert_element_type3A_20 = arith.sitofp %convert_element_type3A_19 : vector<128x64xi32> to vector<128x64xf32>
    %broadcast_in_dim3A_21 = vector.shape_cast %convert_element_type3A : vector<64xf32> to vector<1x64xf32>
    %mul3A = vector.broadcast %broadcast_in_dim3A_21 : vector<1x64xf32> to vector<128x64xf32>
    %mul3A_22 = arith.mulf %convert_element_type3A_20, %mul3A : vector<128x64xf32>
    %reduce_sum3A = arith.constant dense<0.000000e+00> : vector<128xf32>
    %reduce_sum3A_23 = vector.multi_reduction <add>, %mul3A_22, %reduce_sum3A [1] : vector<128x64xf32> to vector<128xf32>
    %convert_element_type3A_24 = arith.fptosi %reduce_sum3A_23 : vector<128xf32> to vector<128xi32>
    %broadcast_in_dim3A_25 = vector.shape_cast %get3A_3 : vector<128xi32> to vector<128x1xi32>
    %eq3A_26 = vector.broadcast %broadcast_in_dim3A_25 : vector<128x1xi32> to vector<128x64xi32>
    %eq3A_27 = arith.cmpi eq, %iota3A, %eq3A_26 : vector<128x64xi32>
    %convert_element_type3A_28 = arith.extui %eq3A_27 : vector<128x64xi1> to vector<128x64xi32>
    %convert_element_type3A_29 = arith.sitofp %convert_element_type3A_28 : vector<128x64xi32> to vector<128x64xf32>
    %broadcast_in_dim3A_30 = vector.shape_cast %convert_element_type3A_24 : vector<128xi32> to vector<128x1xi32>
    %eq3A_31 = vector.broadcast %broadcast_in_dim3A_30 : vector<128x1xi32> to vector<128x64xi32>
    %eq3A_32 = arith.cmpi eq, %iota3A, %eq3A_31 : vector<128x64xi32>
    %convert_element_type3A_33 = arith.extui %eq3A_32 : vector<128x64xi1> to vector<128x64xi32>
    %convert_element_type3A_34 = arith.sitofp %convert_element_type3A_33 : vector<128x64xi32> to vector<128x64xf32>
    %add3A = arith.addf %convert_element_type3A_29, %convert_element_type3A_34 : vector<128x64xf32>
    %iota3A_35 = tpu.iota {dimensions = array<i32: 0>} : vector<128x128xi32>
    %iota3A_36 = tpu.iota {dimensions = array<i32: 1>} : vector<128x128xi32>
    %gt3A = arith.cmpi sgt, %iota3A_35, %iota3A_36 : vector<128x128xi32>
    %convert_element_type3A_37 = arith.extui %gt3A : vector<128x128xi1> to vector<128x128xi32>
    %convert_element_type3A_38 = arith.sitofp %convert_element_type3A_37 : vector<128x128xi32> to vector<128x128xf32>
    %dot_general3A = arith.constant dense<0.000000e+00> : vector<128x64xf32>
    %dot_general3A_39 = tpu.matmul %convert_element_type3A_38, %add3A, %dot_general3A {dimension_numbers = #tpu.dot_dimension_numbers<[1], [0], [0], [1], [0, 0, 1, 1], [], []>, transpose_lhs_hint = false} : vector<128x128xf32>, vector<128x64xf32>, vector<128x64xf32> -> vector<128x64xf32>
    %eq3A_40 = arith.constant 0 : i32
    %eq3A_41 = arith.cmpi eq, %arg0, %eq3A_40 : i32
    %convert_element_type3A_42 = arith.extui %eq3A_41 : i1 to i32
    %cond3A = arith.constant 0 : i32
    %cond3A_43 = arith.cmpi ne, %convert_element_type3A_42, %cond3A : i32
    scf.if %cond3A_43 {
      %broadcast_in_dim3A_84 = arith.constant 0 : i32
      %broadcast_in_dim3A_85 = vector.broadcast %broadcast_in_dim3A_84 : i32 to vector<8x64xi32>
      %swap3A_86 = arith.constant 0 : index
      %swap3A_87 = arith.constant 0 : index
      %swap3A_88 = vector.load %arg4[%swap3A_86, %swap3A_87] : memref<8x64xi32, #tpu.memory_space<vmem>>, vector<8x64xi32>
      tpu.vector_store %arg4[%swap3A_86, %swap3A_87], %broadcast_in_dim3A_85 {strides = array<i32>} : memref<8x64xi32, #tpu.memory_space<vmem>>, vector<8x64xi32>,
    } else {
    }
    %get3A_44 = arith.constant 0 : index
    %get3A_45 = arith.constant 0 : index
    %get3A_46 = vector.load %arg4[%get3A_44, %get3A_45] : memref<8x64xi32, #tpu.memory_space<vmem>>, vector<1x64xi32>
    %get3A_47 = vector.shape_cast %get3A_46 : vector<1x64xi32> to vector<64xi32>
    %convert_element_type3A_48 = arith.sitofp %get3A_47 : vector<64xi32> to vector<64xf32>
    %broadcast_in_dim3A_49 = vector.shape_cast %convert_element_type3A_48 : vector<64xf32> to vector<1x64xf32>
    %add3A_50 = vector.broadcast %broadcast_in_dim3A_49 : vector<1x64xf32> to vector<128x64xf32>
    %add3A_51 = arith.addf %add3A_50, %dot_general3A_39 : vector<128x64xf32>
    %broadcast_in_dim3A_52 = vector.shape_cast %convert_element_type3A_17 : vector<64xf32> to vector<1x64xf32>
    %add3A_53 = vector.broadcast %broadcast_in_dim3A_52 : vector<1x64xf32> to vector<128x64xf32>
    %add3A_54 = arith.addf %add3A_51, %add3A_53 : vector<128x64xf32>
    %mul3A_55 = arith.mulf %convert_element_type3A_29, %add3A_54 : vector<128x64xf32>
    %reduce_sum3A_56 = arith.constant dense<0.000000e+00> : vector<128xf32>
    %reduce_sum3A_57 = vector.multi_reduction <add>, %mul3A_55, %reduce_sum3A_56 [1] : vector<128x64xf32> to vector<128xf32>
    %add3A_58 = arith.addf %add3A_54, %convert_element_type3A_29 : vector<128x64xf32>
    %mul3A_59 = arith.mulf %convert_element_type3A_34, %add3A_58 : vector<128x64xf32>
    %reduce_sum3A_60 = arith.constant dense<0.000000e+00> : vector<128xf32>
    %reduce_sum3A_61 = vector.multi_reduction <add>, %mul3A_59, %reduce_sum3A_60 [1] : vector<128x64xf32> to vector<128xf32>
    %convert_element_type3A_62 = arith.fptosi %reduce_sum3A_57 : vector<128xf32> to vector<128xi32>
    %swap3A = arith.constant 0 : index
    %swap3A_63 = arith.constant 0 : index
    %swap3A_64 = arith.constant 0 : index
    %swap3A_65 = vector.load %arg3[%swap3A, %swap3A_63, %swap3A_64] : memref<1x2x128xi32, #tpu.memory_space<vmem>>, vector<1x1x128xi32>
    %swap3A_66 = vector.shape_cast %swap3A_65 : vector<1x1x128xi32> to vector<128xi32>
    %swap3A_67 = vector.shape_cast %convert_element_type3A_62 : vector<128xi32> to vector<1x1x128xi32>
    tpu.vector_store %arg3[%swap3A, %swap3A_63, %swap3A_64], %swap3A_67 {strides = array<i32>} : memref<1x2x128xi32, #tpu.memory_space<vmem>>, vector<1x1x128xi32>,
    %convert_element_type3A_68 = arith.fptosi %reduce_sum3A_61 : vector<128xf32> to vector<128xi32>
    %swap3A_69 = arith.constant 0 : index
    %swap3A_70 = arith.constant 1 : index
    %swap3A_71 = arith.constant 0 : index
    %swap3A_72 = vector.load %arg3[%swap3A_69, %swap3A_70, %swap3A_71] : memref<1x2x128xi32, #tpu.memory_space<vmem>>, vector<1x1x128xi32>
    %swap3A_73 = vector.shape_cast %swap3A_72 : vector<1x1x128xi32> to vector<128xi32>
    %swap3A_74 = vector.shape_cast %convert_element_type3A_68 : vector<128xi32> to vector<1x1x128xi32>
    tpu.vector_store %arg3[%swap3A_69, %swap3A_70, %swap3A_71], %swap3A_74 {strides = array<i32>} : memref<1x2x128xi32, #tpu.memory_space<vmem>>, vector<1x1x128xi32>,
    %reduce_sum3A_75 = arith.constant dense<0.000000e+00> : vector<64xf32>
    %reduce_sum3A_76 = vector.multi_reduction <add>, %add3A, %reduce_sum3A_75 [0] : vector<128x64xf32> to vector<64xf32>
    %add3A_77 = arith.addf %convert_element_type3A_48, %reduce_sum3A_76 : vector<64xf32>
    %convert_element_type3A_78 = arith.fptosi %add3A_77 : vector<64xf32> to vector<64xi32>
    %swap3A_79 = arith.constant 0 : index
    %swap3A_80 = arith.constant 0 : index
    %swap3A_81 = vector.load %arg4[%swap3A_79, %swap3A_80] : memref<8x64xi32, #tpu.memory_space<vmem>>, vector<1x64xi32>
    %swap3A_82 = vector.shape_cast %swap3A_81 : vector<1x64xi32> to vector<64xi32>
    %swap3A_83 = vector.shape_cast %convert_element_type3A_78 : vector<64xi32> to vector<1x64xi32>
    tpu.vector_store %arg4[%swap3A_79, %swap3A_80], %swap3A_83 {strides = array<i32>} : memref<8x64xi32, #tpu.memory_space<vmem>>, vector<1x64xi32>,
    return
  }
  func.func @transform_0(%arg0: i32) -> (i32, i32, i32) {
    %c0_i32 = arith.constant 0 : i32
    %c0_i32_0 = arith.constant 0 : i32
    %c0_i32_1 = arith.constant 0 : i32
    return %arg0, %c0_i32, %c0_i32_0 : i32, i32, i32
  }
  func.func @transform_1(%arg0: i32) -> (i32, i32) {
    %c0_i32 = arith.constant 0 : i32
    %c0_i32_0 = arith.constant 0 : i32
    %c0_i32_1 = arith.constant 0 : i32
    return %c0_i32, %c0_i32_0 : i32, i32
  }
  func.func @transform_2(%arg0: i32) -> (i32, i32, i32) {
    %c0_i32 = arith.constant 0 : i32
    %c0_i32_0 = arith.constant 0 : i32
    %c0_i32_1 = arith.constant 0 : i32
    return %arg0, %c0_i32, %c0_i32_0 : i32, i32, i32
  }
}

module attributes {stable_mosaic.version = 14 : i64} {
  func.func @_router_body(%arg0: i32, %arg1: memref<128x1024xf32, #tpu.memory_space<vmem>>, %arg2: memref<64x1024xf32, #tpu.memory_space<vmem>>, %arg3: memref<64x64xf32, #tpu.memory_space<vmem>>, %arg4: memref<1x2x128xf32, #tpu.memory_space<vmem>>, %arg5: memref<1x2x128xi32, #tpu.memory_space<vmem>>, %arg6: memref<8x64xi32, #tpu.memory_space<vmem>>, %arg7: memref<8x128xi32, #tpu.memory_space<vmem>>) attributes {dimension_semantics = [#tpu.dimension_semantics<arbitrary>], iteration_bounds = array<i64: 16>, scalar_prefetch = 0 : i64, scratch_operands = 0 : i64, tpu.core_type = #tpu.core_type<tc>, window_params = [{transform_indices = @transform_0, window_bounds = array<i64: 128, 1024>}, {pipeline_mode = #tpu.pipeline_mode<synchronous>, transform_indices = @transform_1, window_bounds = array<i64: 64, 1024>}, {pipeline_mode = #tpu.pipeline_mode<synchronous>, transform_indices = @transform_2, window_bounds = array<i64: 64, 64>}, {transform_indices = @transform_3, window_bounds = array<i64: 1, 2, 128>}, {transform_indices = @transform_4, window_bounds = array<i64: 1, 2, 128>}, {pipeline_mode = #tpu.pipeline_mode<synchronous>, transform_indices = @transform_5, window_bounds = array<i64: 8, 64>}, {pipeline_mode = #tpu.pipeline_mode<synchronous>, transform_indices = @transform_6, window_bounds = array<i64: 8, 128>}]} {
    %iota3A = tpu.iota {dimensions = array<i32: 1>} : vector<128x64xi32>
    %get3A = arith.constant 0 : index
    %get3A_0 = arith.constant 0 : index
    %get3A_1 = vector.load %arg1[%get3A, %get3A_0] : memref<128x1024xf32, #tpu.memory_space<vmem>>, vector<128x1024xf32>
    %get3A_2 = arith.constant 0 : index
    %get3A_3 = arith.constant 0 : index
    %get3A_4 = vector.load %arg2[%get3A_2, %get3A_3] : memref<64x1024xf32, #tpu.memory_space<vmem>>, vector<64x1024xf32>
    %dot_general3A = arith.constant dense<0.000000e+00> : vector<128x64xf32>
    %dot_general3A_5 = tpu.matmul %get3A_1, %get3A_4, %dot_general3A {dimension_numbers = #tpu.dot_dimension_numbers<[1], [1], [0], [0], [0, 0, 1, 0], [], []>, transpose_lhs_hint = false} : vector<128x1024xf32>, vector<64x1024xf32>, vector<128x64xf32> -> vector<128x64xf32>
    %reduce_max3A = arith.constant dense<0xFF800000> : vector<128xf32>
    %reduce_max3A_6 = vector.multi_reduction <maximumf>, %dot_general3A_5, %reduce_max3A [1] : vector<128x64xf32> to vector<128xf32>
    %broadcast_in_dim3A = vector.shape_cast %reduce_max3A_6 : vector<128xf32> to vector<128x1xf32>
    %sub3A = vector.broadcast %broadcast_in_dim3A : vector<128x1xf32> to vector<128x64xf32>
    %sub3A_7 = arith.subf %dot_general3A_5, %sub3A : vector<128x64xf32>
    %exp3A = math.exp %sub3A_7 : vector<128x64xf32>
    %reduce_sum3A = arith.constant dense<0.000000e+00> : vector<128xf32>
    %reduce_sum3A_8 = vector.multi_reduction <add>, %exp3A, %reduce_sum3A [1] : vector<128x64xf32> to vector<128xf32>
    %broadcast_in_dim3A_9 = vector.shape_cast %reduce_sum3A_8 : vector<128xf32> to vector<128x1xf32>
    %div3A = vector.broadcast %broadcast_in_dim3A_9 : vector<128x1xf32> to vector<128x64xf32>
    %div3A_10 = arith.divf %exp3A, %div3A : vector<128x64xf32>
    %reduce_max3A_11 = arith.constant dense<0xFF800000> : vector<128xf32>
    %reduce_max3A_12 = vector.multi_reduction <maximumf>, %div3A_10, %reduce_max3A_11 [1] : vector<128x64xf32> to vector<128xf32>
    %broadcast_in_dim3A_13 = vector.shape_cast %reduce_max3A_12 : vector<128xf32> to vector<128x1xf32>
    %eq3A = vector.broadcast %broadcast_in_dim3A_13 : vector<128x1xf32> to vector<128x64xf32>
    %eq3A_14 = arith.cmpf oeq, %div3A_10, %eq3A : vector<128x64xf32>
    %jit3A = arith.constant 64 : i32
    %broadcast_in_dim3A_15 = vector.broadcast %jit3A : i32 to vector<128x64xi32>
    %select_n3A = arith.select %eq3A_14, %iota3A, %broadcast_in_dim3A_15 : vector<128x64xi1>, vector<128x64xi32>
    %reduce_min3A = arith.constant dense<2147483647> : vector<128xi32>
    %reduce_min3A_16 = vector.multi_reduction <minsi>, %select_n3A, %reduce_min3A [1] : vector<128x64xi32> to vector<128xi32>
    %broadcast_in_dim3A_17 = vector.shape_cast %reduce_min3A_16 : vector<128xi32> to vector<128x1xi32>
    %eq3A_18 = vector.broadcast %broadcast_in_dim3A_17 : vector<128x1xi32> to vector<128x64xi32>
    %eq3A_19 = arith.cmpi eq, %iota3A, %eq3A_18 : vector<128x64xi32>
    %jit3A_20 = arith.constant -1.000000e+00 : f32
    %broadcast_in_dim3A_21 = vector.broadcast %jit3A_20 : f32 to vector<128x64xf32>
    %select_n3A_22 = arith.select %eq3A_19, %broadcast_in_dim3A_21, %div3A_10 : vector<128x64xi1>, vector<128x64xf32>
    %reduce_max3A_23 = arith.constant dense<0xFF800000> : vector<128xf32>
    %reduce_max3A_24 = vector.multi_reduction <maximumf>, %select_n3A_22, %reduce_max3A_23 [1] : vector<128x64xf32> to vector<128xf32>
    %broadcast_in_dim3A_25 = vector.shape_cast %reduce_max3A_24 : vector<128xf32> to vector<128x1xf32>
    %eq3A_26 = vector.broadcast %broadcast_in_dim3A_25 : vector<128x1xf32> to vector<128x64xf32>
    %eq3A_27 = arith.cmpf oeq, %select_n3A_22, %eq3A_26 : vector<128x64xf32>
    %jit3A_28 = arith.constant 64 : i32
    %broadcast_in_dim3A_29 = vector.broadcast %jit3A_28 : i32 to vector<128x64xi32>
    %select_n3A_30 = arith.select %eq3A_27, %iota3A, %broadcast_in_dim3A_29 : vector<128x64xi1>, vector<128x64xi32>
    %reduce_min3A_31 = arith.constant dense<2147483647> : vector<128xi32>
    %reduce_min3A_32 = vector.multi_reduction <minsi>, %select_n3A_30, %reduce_min3A_31 [1] : vector<128x64xi32> to vector<128xi32>
    %add3A = arith.addf %reduce_max3A_12, %reduce_max3A_24 : vector<128xf32>
    %max3A = arith.constant 9.99999996E-13 : f32
    %max3A_33 = vector.broadcast %max3A : f32 to vector<128xf32>
    %max3A_34 = arith.maximumf %add3A, %max3A_33 : vector<128xf32>
    %div3A_35 = arith.divf %reduce_max3A_12, %max3A_34 : vector<128xf32>
    %swap3A = arith.constant 0 : index
    %swap3A_36 = arith.constant 0 : index
    %swap3A_37 = arith.constant 0 : index
    %swap3A_38 = vector.load %arg4[%swap3A, %swap3A_36, %swap3A_37] : memref<1x2x128xf32, #tpu.memory_space<vmem>>, vector<1x1x128xf32>
    %swap3A_39 = vector.shape_cast %swap3A_38 : vector<1x1x128xf32> to vector<128xf32>
    %swap3A_40 = vector.shape_cast %div3A_35 : vector<128xf32> to vector<1x1x128xf32>
    tpu.vector_store %arg4[%swap3A, %swap3A_36, %swap3A_37], %swap3A_40 {strides = array<i32>} : memref<1x2x128xf32, #tpu.memory_space<vmem>>, vector<1x1x128xf32>,
    %div3A_41 = arith.divf %reduce_max3A_24, %max3A_34 : vector<128xf32>
    %swap3A_42 = arith.constant 0 : index
    %swap3A_43 = arith.constant 1 : index
    %swap3A_44 = arith.constant 0 : index
    %swap3A_45 = vector.load %arg4[%swap3A_42, %swap3A_43, %swap3A_44] : memref<1x2x128xf32, #tpu.memory_space<vmem>>, vector<1x1x128xf32>
    %swap3A_46 = vector.shape_cast %swap3A_45 : vector<1x1x128xf32> to vector<128xf32>
    %swap3A_47 = vector.shape_cast %div3A_41 : vector<128xf32> to vector<1x1x128xf32>
    tpu.vector_store %arg4[%swap3A_42, %swap3A_43, %swap3A_44], %swap3A_47 {strides = array<i32>} : memref<1x2x128xf32, #tpu.memory_space<vmem>>, vector<1x1x128xf32>,
    %swap3A_48 = arith.constant 0 : index
    %swap3A_49 = arith.constant 0 : index
    %swap3A_50 = arith.constant 0 : index
    %swap3A_51 = vector.load %arg5[%swap3A_48, %swap3A_49, %swap3A_50] : memref<1x2x128xi32, #tpu.memory_space<vmem>>, vector<1x1x128xi32>
    %swap3A_52 = vector.shape_cast %swap3A_51 : vector<1x1x128xi32> to vector<128xi32>
    %swap3A_53 = vector.shape_cast %reduce_min3A_16 : vector<128xi32> to vector<1x1x128xi32>
    tpu.vector_store %arg5[%swap3A_48, %swap3A_49, %swap3A_50], %swap3A_53 {strides = array<i32>} : memref<1x2x128xi32, #tpu.memory_space<vmem>>, vector<1x1x128xi32>,
    %swap3A_54 = arith.constant 0 : index
    %swap3A_55 = arith.constant 1 : index
    %swap3A_56 = arith.constant 0 : index
    %swap3A_57 = vector.load %arg5[%swap3A_54, %swap3A_55, %swap3A_56] : memref<1x2x128xi32, #tpu.memory_space<vmem>>, vector<1x1x128xi32>
    %swap3A_58 = vector.shape_cast %swap3A_57 : vector<1x1x128xi32> to vector<128xi32>
    %swap3A_59 = vector.shape_cast %reduce_min3A_32 : vector<128xi32> to vector<1x1x128xi32>
    tpu.vector_store %arg5[%swap3A_54, %swap3A_55, %swap3A_56], %swap3A_59 {strides = array<i32>} : memref<1x2x128xi32, #tpu.memory_space<vmem>>, vector<1x1x128xi32>,
    %broadcast_in_dim3A_60 = vector.shape_cast %reduce_min3A_16 : vector<128xi32> to vector<128x1xi32>
    %eq3A_61 = vector.broadcast %broadcast_in_dim3A_60 : vector<128x1xi32> to vector<128x64xi32>
    %eq3A_62 = arith.cmpi eq, %iota3A, %eq3A_61 : vector<128x64xi32>
    %convert_element_type3A = arith.extui %eq3A_62 : vector<128x64xi1> to vector<128x64xi32>
    %reduce_sum3A_63 = arith.constant dense<0> : vector<64xi32>
    %reduce_sum3A_64 = vector.multi_reduction <add>, %convert_element_type3A, %reduce_sum3A_63 [0] : vector<128x64xi32> to vector<64xi32>
    %broadcast_in_dim3A_65 = vector.shape_cast %reduce_min3A_32 : vector<128xi32> to vector<128x1xi32>
    %eq3A_66 = vector.broadcast %broadcast_in_dim3A_65 : vector<128x1xi32> to vector<128x64xi32>
    %eq3A_67 = arith.cmpi eq, %iota3A, %eq3A_66 : vector<128x64xi32>
    %convert_element_type3A_68 = arith.extui %eq3A_67 : vector<128x64xi1> to vector<128x64xi32>
    %reduce_sum3A_69 = arith.constant dense<0> : vector<64xi32>
    %reduce_sum3A_70 = vector.multi_reduction <add>, %convert_element_type3A_68, %reduce_sum3A_69 [0] : vector<128x64xi32> to vector<64xi32>
    %eq3A_71 = arith.constant 0 : i32
    %eq3A_72 = arith.cmpi eq, %arg0, %eq3A_71 : i32
    %convert_element_type3A_73 = arith.extui %eq3A_72 : i1 to i32
    %cond3A = arith.constant 0 : i32
    %cond3A_74 = arith.cmpi ne, %convert_element_type3A_73, %cond3A : i32
    scf.if %cond3A_74 {
      %broadcast_in_dim3A_100 = arith.constant 0 : i32
      %broadcast_in_dim3A_101 = vector.broadcast %broadcast_in_dim3A_100 : i32 to vector<8x64xi32>
      %swap3A_102 = arith.constant 0 : index
      %swap3A_103 = arith.constant 0 : index
      %swap3A_104 = vector.load %arg6[%swap3A_102, %swap3A_103] : memref<8x64xi32, #tpu.memory_space<vmem>>, vector<8x64xi32>
      tpu.vector_store %arg6[%swap3A_102, %swap3A_103], %broadcast_in_dim3A_101 {strides = array<i32>} : memref<8x64xi32, #tpu.memory_space<vmem>>, vector<8x64xi32>,
    } else {
    }
    %get3A_75 = arith.constant 1 : index
    %get3A_76 = arith.constant 0 : index
    %get3A_77 = vector.load %arg6[%get3A_75, %get3A_76] : memref<8x64xi32, #tpu.memory_space<vmem>>, vector<1x64xi32>
    %get3A_78 = vector.shape_cast %get3A_77 : vector<1x64xi32> to vector<64xi32>
    %add3A_79 = arith.addi %get3A_78, %reduce_sum3A_64 : vector<64xi32>
    %swap3A_80 = arith.constant 1 : index
    %swap3A_81 = arith.constant 0 : index
    %swap3A_82 = vector.load %arg6[%swap3A_80, %swap3A_81] : memref<8x64xi32, #tpu.memory_space<vmem>>, vector<1x64xi32>
    %swap3A_83 = vector.shape_cast %swap3A_82 : vector<1x64xi32> to vector<64xi32>
    %swap3A_84 = vector.shape_cast %add3A_79 : vector<64xi32> to vector<1x64xi32>
    tpu.vector_store %arg6[%swap3A_80, %swap3A_81], %swap3A_84 {strides = array<i32>} : memref<8x64xi32, #tpu.memory_space<vmem>>, vector<1x64xi32>,
    %get3A_85 = arith.constant 2 : index
    %get3A_86 = arith.constant 0 : index
    %get3A_87 = vector.load %arg6[%get3A_85, %get3A_86] : memref<8x64xi32, #tpu.memory_space<vmem>>, vector<1x64xi32>
    %get3A_88 = vector.shape_cast %get3A_87 : vector<1x64xi32> to vector<64xi32>
    %add3A_89 = arith.addi %get3A_88, %reduce_sum3A_70 : vector<64xi32>
    %swap3A_90 = arith.constant 2 : index
    %swap3A_91 = arith.constant 0 : index
    %swap3A_92 = vector.load %arg6[%swap3A_90, %swap3A_91] : memref<8x64xi32, #tpu.memory_space<vmem>>, vector<1x64xi32>
    %swap3A_93 = vector.shape_cast %swap3A_92 : vector<1x64xi32> to vector<64xi32>
    %swap3A_94 = vector.shape_cast %add3A_89 : vector<64xi32> to vector<1x64xi32>
    tpu.vector_store %arg6[%swap3A_90, %swap3A_91], %swap3A_94 {strides = array<i32>} : memref<8x64xi32, #tpu.memory_space<vmem>>, vector<1x64xi32>,
    %eq3A_95 = arith.constant 15 : i32
    %eq3A_96 = arith.cmpi eq, %arg0, %eq3A_95 : i32
    %convert_element_type3A_97 = arith.extui %eq3A_96 : i1 to i32
    %cond3A_98 = arith.constant 0 : i32
    %cond3A_99 = arith.cmpi ne, %convert_element_type3A_97, %cond3A_98 : i32
    scf.if %cond3A_99 {
      %get3A_100 = arith.constant 1 : index
      %get3A_101 = arith.constant 0 : index
      %get3A_102 = vector.load %arg6[%get3A_100, %get3A_101] : memref<8x64xi32, #tpu.memory_space<vmem>>, vector<1x64xi32>
      %get3A_103 = vector.shape_cast %get3A_102 : vector<1x64xi32> to vector<64xi32>
      %get3A_104 = arith.constant 2 : index
      %get3A_105 = arith.constant 0 : index
      %get3A_106 = vector.load %arg6[%get3A_104, %get3A_105] : memref<8x64xi32, #tpu.memory_space<vmem>>, vector<1x64xi32>
      %get3A_107 = vector.shape_cast %get3A_106 : vector<1x64xi32> to vector<64xi32>
      %gt3A = arith.constant 0 : i32
      %gt3A_108 = vector.broadcast %gt3A : i32 to vector<64xi32>
      %gt3A_109 = arith.cmpi sgt, %get3A_103, %gt3A_108 : vector<64xi32>
      %gt3A_110 = arith.constant 0 : i32
      %gt3A_111 = vector.broadcast %gt3A_110 : i32 to vector<64xi32>
      %gt3A_112 = arith.cmpi sgt, %get3A_107, %gt3A_111 : vector<64xi32>
      %get3A_113 = arith.constant 0 : index
      %get3A_114 = arith.constant 0 : index
      %get3A_115 = vector.load %arg3[%get3A_113, %get3A_114] : memref<64x64xf32, #tpu.memory_space<vmem>>, vector<64x64xf32>
      %broadcast_in_dim3A_116 = vector.shape_cast %gt3A_109 : vector<64xi1> to vector<1x64xi1>
      %jit3A_117 = arith.constant -3.000000e+38 : f32
      %broadcast_in_dim3A_118 = vector.shape_cast %broadcast_in_dim3A_116 : vector<1x64xi1> to vector<1x64xi1>
      %broadcast_in_dim3A_119 = vector.broadcast %broadcast_in_dim3A_118 : vector<1x64xi1> to vector<64x64xi1>
      %broadcast_in_dim3A_120 = vector.broadcast %jit3A_117 : f32 to vector<64x64xf32>
      %select_n3A_121 = arith.select %broadcast_in_dim3A_119, %get3A_115, %broadcast_in_dim3A_120 : vector<64x64xi1>, vector<64x64xf32>
      %reduce_max3A_122 = arith.constant dense<0xFF800000> : vector<64xf32>
      %reduce_max3A_123 = vector.multi_reduction <maximumf>, %select_n3A_121, %reduce_max3A_122 [1] : vector<64x64xf32> to vector<64xf32>
      %iota3A_124 = tpu.iota {dimensions = array<i32: 1>} : vector<64x64xi32>
      %broadcast_in_dim3A_125 = vector.shape_cast %reduce_max3A_123 : vector<64xf32> to vector<64x1xf32>
      %eq3A_126 = vector.broadcast %broadcast_in_dim3A_125 : vector<64x1xf32> to vector<64x64xf32>
      %eq3A_127 = arith.cmpf oeq, %select_n3A_121, %eq3A_126 : vector<64x64xf32>
      %jit3A_128 = arith.constant 64 : i32
      %broadcast_in_dim3A_129 = vector.broadcast %jit3A_128 : i32 to vector<64x64xi32>
      %select_n3A_130 = arith.select %eq3A_127, %iota3A_124, %broadcast_in_dim3A_129 : vector<64x64xi1>, vector<64x64xi32>
      %reduce_min3A_131 = arith.constant dense<2147483647> : vector<64xi32>
      %reduce_min3A_132 = vector.multi_reduction <minsi>, %select_n3A_130, %reduce_min3A_131 [1] : vector<64x64xi32> to vector<64xi32>
      %convert_element_type3A_133 = arith.extui %gt3A_109 : vector<64xi1> to vector<64xi32>
      %reduce_sum3A_134 = vector.shape_cast %convert_element_type3A_133 : vector<64xi32> to vector<1x64xi32>
      %reduce_sum3A_135 = arith.constant dense<0> : vector<1xi32>
      %reduce_sum3A_136 = vector.multi_reduction <add>, %reduce_sum3A_134, %reduce_sum3A_135 [1] : vector<1x64xi32> to vector<1xi32>
      %reduce_sum3A_137 = vector.shape_cast %reduce_sum3A_136 : vector<1xi32> to vector<1x1xi32>
      %reduce_sum3A_138 = vector.extract %reduce_sum3A_137[0, 0] : i32 from vector<1x1xi32>
      %gt3A_139 = arith.constant 0 : i32
      %gt3A_140 = arith.cmpi sgt, %reduce_sum3A_138, %gt3A_139 : i32
      %convert_element_type3A_141 = arith.extui %gt3A_112 : vector<64xi1> to vector<64xi32>
      %reduce_sum3A_142 = vector.shape_cast %convert_element_type3A_141 : vector<64xi32> to vector<1x64xi32>
      %reduce_sum3A_143 = arith.constant dense<0> : vector<1xi32>
      %reduce_sum3A_144 = vector.multi_reduction <add>, %reduce_sum3A_142, %reduce_sum3A_143 [1] : vector<1x64xi32> to vector<1xi32>
      %reduce_sum3A_145 = vector.shape_cast %reduce_sum3A_144 : vector<1xi32> to vector<1x1xi32>
      %reduce_sum3A_146 = vector.extract %reduce_sum3A_145[0, 0] : i32 from vector<1x1xi32>
      %gt3A_147 = arith.constant 0 : i32
      %gt3A_148 = arith.cmpi sgt, %reduce_sum3A_146, %gt3A_147 : i32
      %not3A = arith.constant dense<true> : vector<64xi1>
      %not3A_149 = arith.xori %gt3A_109, %not3A : vector<64xi1>
      %and3A = arith.andi %gt3A_112, %not3A_149 : vector<64xi1>
      %and3A_150 = vector.broadcast %gt3A_140 : i1 to vector<64xi1>
      %and3A_151 = arith.andi %and3A, %and3A_150 : vector<64xi1>
      %and3A_152 = vector.broadcast %gt3A_148 : i1 to vector<64xi1>
      %and3A_153 = arith.andi %and3A_151, %and3A_152 : vector<64xi1>
      %ge3A = arith.constant 5.000000e-01 : f32
      %ge3A_154 = vector.broadcast %ge3A : f32 to vector<64xf32>
      %ge3A_155 = arith.cmpf oge, %reduce_max3A_123, %ge3A_154 : vector<64xf32>
      %and3A_156 = arith.andi %and3A_153, %ge3A_155 : vector<64xi1>
      %iota3A_157 = tpu.iota {dimensions = array<i32: 1>} : vector<1x64xi32>
      %iota3A_158 = vector.shape_cast %iota3A_157 : vector<1x64xi32> to vector<64xi32>
      %select_n3A_159 = arith.select %and3A_156, %reduce_min3A_132, %iota3A_158 : vector<64xi1>, vector<64xi32>
      %swap3A_160 = arith.constant 0 : index
      %swap3A_161 = arith.constant 0 : index
      %swap3A_162 = vector.load %arg6[%swap3A_160, %swap3A_161] : memref<8x64xi32, #tpu.memory_space<vmem>>, vector<1x64xi32>
      %swap3A_163 = vector.shape_cast %swap3A_162 : vector<1x64xi32> to vector<64xi32>
      %swap3A_164 = vector.shape_cast %select_n3A_159 : vector<64xi32> to vector<1x64xi32>
      tpu.vector_store %arg6[%swap3A_160, %swap3A_161], %swap3A_164 {strides = array<i32>} : memref<8x64xi32, #tpu.memory_space<vmem>>, vector<1x64xi32>,
      %broadcast_in_dim3A_165 = vector.shape_cast %select_n3A_159 : vector<64xi32> to vector<64x1xi32>
      %eq3A_166 = vector.broadcast %broadcast_in_dim3A_165 : vector<64x1xi32> to vector<64x64xi32>
      %eq3A_167 = arith.cmpi eq, %iota3A_124, %eq3A_166 : vector<64x64xi32>
      %convert_element_type3A_168 = arith.extui %eq3A_167 : vector<64x64xi1> to vector<64x64xi32>
      %broadcast_in_dim3A_169 = vector.shape_cast %get3A_107 : vector<64xi32> to vector<64x1xi32>
      %mul3A = vector.broadcast %broadcast_in_dim3A_169 : vector<64x1xi32> to vector<64x64xi32>
      %mul3A_170 = arith.muli %convert_element_type3A_168, %mul3A : vector<64x64xi32>
      %reduce_sum3A_171 = arith.constant dense<0> : vector<64xi32>
      %reduce_sum3A_172 = vector.multi_reduction <add>, %mul3A_170, %reduce_sum3A_171 [0] : vector<64x64xi32> to vector<64xi32>
      %add3A_173 = arith.addi %get3A_103, %reduce_sum3A_172 : vector<64xi32>
      %add3A_174 = arith.constant 128 : i32
      %add3A_175 = vector.broadcast %add3A_174 : i32 to vector<64xi32>
      %add3A_176 = arith.addi %add3A_173, %add3A_175 : vector<64xi32>
      %sub3A_177 = arith.constant 1 : i32
      %sub3A_178 = vector.broadcast %sub3A_177 : i32 to vector<64xi32>
      %sub3A_179 = arith.subi %add3A_176, %sub3A_178 : vector<64xi32>
      %jit3A_180 = arith.constant 128 : i32
      %div3A_181 = vector.broadcast %jit3A_180 : i32 to vector<64xi32>
      %div3A_182 = arith.divsi %sub3A_179, %div3A_181 : vector<64xi32>
      %sign3A = arith.constant 0 : i32
      %sign3A_183 = vector.broadcast %sign3A : i32 to vector<64xi32>
      %sign3A_184 = arith.cmpi sgt, %sub3A_179, %sign3A_183 : vector<64xi32>
      %sign3A_185 = arith.extui %sign3A_184 : vector<64xi1> to vector<64xi32>
      %sign3A_186 = arith.constant 0 : i32
      %sign3A_187 = vector.broadcast %sign3A_186 : i32 to vector<64xi32>
      %sign3A_188 = arith.cmpi slt, %sub3A_179, %sign3A_187 : vector<64xi32>
      %sign3A_189 = arith.extui %sign3A_188 : vector<64xi1> to vector<64xi32>
      %sign3A_190 = arith.subi %sign3A_185, %sign3A_189 : vector<64xi32>
      %sign3A_191 = arith.constant 0 : i32
      %sign3A_192 = arith.cmpi sgt, %jit3A_180, %sign3A_191 : i32
      %sign3A_193 = arith.extui %sign3A_192 : i1 to i32
      %sign3A_194 = arith.constant 0 : i32
      %sign3A_195 = arith.cmpi slt, %jit3A_180, %sign3A_194 : i32
      %sign3A_196 = arith.extui %sign3A_195 : i1 to i32
      %sign3A_197 = arith.subi %sign3A_193, %sign3A_196 : i32
      %ne3A = vector.broadcast %sign3A_197 : i32 to vector<64xi32>
      %ne3A_198 = arith.cmpi ne, %sign3A_190, %ne3A : vector<64xi32>
      %rem3A = vector.broadcast %jit3A_180 : i32 to vector<64xi32>
      %rem3A_199 = arith.remsi %sub3A_179, %rem3A : vector<64xi32>
      %ne3A_200 = arith.constant 0 : i32
      %ne3A_201 = vector.broadcast %ne3A_200 : i32 to vector<64xi32>
      %ne3A_202 = arith.cmpi ne, %rem3A_199, %ne3A_201 : vector<64xi32>
      %and3A_203 = arith.andi %ne3A_198, %ne3A_202 : vector<64xi1>
      %sub3A_204 = arith.constant 1 : i32
      %sub3A_205 = vector.broadcast %sub3A_204 : i32 to vector<64xi32>
      %sub3A_206 = arith.subi %div3A_182, %sub3A_205 : vector<64xi32>
      %select_n3A_207 = arith.select %and3A_203, %sub3A_206, %div3A_182 : vector<64xi1>, vector<64xi32>
      %iota3A_208 = tpu.iota {dimensions = array<i32: 0>} : vector<64x64xi32>
      %le3A = arith.cmpi sle, %iota3A_124, %iota3A_208 : vector<64x64xi32>
      %broadcast_in_dim3A_209 = vector.shape_cast %select_n3A_207 : vector<64xi32> to vector<1x64xi32>
      %jit3A_210 = arith.constant 0 : i32
      %broadcast_in_dim3A_211 = vector.shape_cast %broadcast_in_dim3A_209 : vector<1x64xi32> to vector<1x64xi32>
      %broadcast_in_dim3A_212 = vector.broadcast %broadcast_in_dim3A_211 : vector<1x64xi32> to vector<64x64xi32>
      %broadcast_in_dim3A_213 = vector.broadcast %jit3A_210 : i32 to vector<64x64xi32>
      %select_n3A_214 = arith.select %le3A, %broadcast_in_dim3A_212, %broadcast_in_dim3A_213 : vector<64x64xi1>, vector<64x64xi32>
      %reduce_sum3A_215 = arith.constant dense<0> : vector<64xi32>
      %reduce_sum3A_216 = vector.multi_reduction <add>, %select_n3A_214, %reduce_sum3A_215 [1] : vector<64x64xi32> to vector<64xi32>
      %sub3A_217 = arith.subi %reduce_sum3A_216, %select_n3A_207 : vector<64xi32>
      %mul3A_218 = arith.constant 128 : i32
      %mul3A_219 = vector.broadcast %mul3A_218 : i32 to vector<64xi32>
      %mul3A_220 = arith.muli %sub3A_217, %mul3A_219 : vector<64xi32>
      %swap3A_221 = arith.constant 3 : index
      %swap3A_222 = arith.constant 0 : index
      %swap3A_223 = vector.load %arg6[%swap3A_221, %swap3A_222] : memref<8x64xi32, #tpu.memory_space<vmem>>, vector<1x64xi32>
      %swap3A_224 = vector.shape_cast %swap3A_223 : vector<1x64xi32> to vector<64xi32>
      %swap3A_225 = vector.shape_cast %mul3A_220 : vector<64xi32> to vector<1x64xi32>
      tpu.vector_store %arg6[%swap3A_221, %swap3A_222], %swap3A_225 {strides = array<i32>} : memref<8x64xi32, #tpu.memory_space<vmem>>, vector<1x64xi32>,
      %reduce_max3A_226 = vector.shape_cast %reduce_sum3A_216 : vector<64xi32> to vector<1x64xi32>
      %reduce_max3A_227 = arith.constant dense<-2147483648> : vector<1xi32>
      %reduce_max3A_228 = vector.multi_reduction <maxsi>, %reduce_max3A_226, %reduce_max3A_227 [1] : vector<1x64xi32> to vector<1xi32>
      %reduce_max3A_229 = vector.shape_cast %reduce_max3A_228 : vector<1xi32> to vector<1x1xi32>
      %reduce_max3A_230 = vector.extract %reduce_max3A_229[0, 0] : i32 from vector<1x1xi32>
      %broadcast_in_dim3A_231 = vector.shape_cast %reduce_sum3A_216 : vector<64xi32> to vector<1x64xi32>
      %broadcast_in_dim3A_232 = vector.shape_cast %broadcast_in_dim3A_231 : vector<1x64xi32> to vector<1x64xi32>
      %broadcast_in_dim3A_233 = vector.broadcast %broadcast_in_dim3A_232 : vector<1x64xi32> to vector<128x64xi32>
      %iota3A_234 = tpu.iota {dimensions = array<i32: 0>} : vector<128x64xi32>
      %sub3A_235 = arith.constant 1 : i32
      %sub3A_236 = arith.subi %reduce_max3A_230, %sub3A_235 : i32
      %min3A = vector.broadcast %sub3A_236 : i32 to vector<128x64xi32>
      %min3A_237 = arith.minsi %iota3A_234, %min3A : vector<128x64xi32>
      %le3A_238 = arith.cmpi sle, %broadcast_in_dim3A_233, %min3A_237 : vector<128x64xi32>
      %convert_element_type3A_239 = arith.extui %le3A_238 : vector<128x64xi1> to vector<128x64xi32>
      %reduce_sum3A_240 = arith.constant dense<0> : vector<128xi32>
      %reduce_sum3A_241 = vector.multi_reduction <add>, %convert_element_type3A_239, %reduce_sum3A_240 [1] : vector<128x64xi32> to vector<128xi32>
      %swap3A_242 = arith.constant 0 : index
      %swap3A_243 = arith.constant 0 : index
      %swap3A_244 = vector.load %arg7[%swap3A_242, %swap3A_243] : memref<8x128xi32, #tpu.memory_space<vmem>>, vector<1x128xi32>
      %swap3A_245 = vector.shape_cast %swap3A_244 : vector<1x128xi32> to vector<128xi32>
      %swap3A_246 = vector.shape_cast %reduce_sum3A_241 : vector<128xi32> to vector<1x128xi32>
      tpu.vector_store %arg7[%swap3A_242, %swap3A_243], %swap3A_246 {strides = array<i32>} : memref<8x128xi32, #tpu.memory_space<vmem>>, vector<1x128xi32>,
      %broadcast_in_dim3A_247 = vector.broadcast %reduce_max3A_230 : i32 to vector<128xi32>
      %swap3A_248 = arith.constant 1 : index
      %swap3A_249 = arith.constant 0 : index
      %swap3A_250 = vector.load %arg7[%swap3A_248, %swap3A_249] : memref<8x128xi32, #tpu.memory_space<vmem>>, vector<1x128xi32>
      %swap3A_251 = vector.shape_cast %swap3A_250 : vector<1x128xi32> to vector<128xi32>
      %swap3A_252 = vector.shape_cast %broadcast_in_dim3A_247 : vector<128xi32> to vector<1x128xi32>
      tpu.vector_store %arg7[%swap3A_248, %swap3A_249], %swap3A_252 {strides = array<i32>} : memref<8x128xi32, #tpu.memory_space<vmem>>, vector<1x128xi32>,
    } else {
    }
    return
  }
  func.func @transform_0(%arg0: i32) -> (i32, i32) {
    %c0_i32 = arith.constant 0 : i32
    %c0_i32_0 = arith.constant 0 : i32
    return %arg0, %c0_i32 : i32, i32
  }
  func.func @transform_1(%arg0: i32) -> (i32, i32) {
    %c0_i32 = arith.constant 0 : i32
    %c0_i32_0 = arith.constant 0 : i32
    %c0_i32_1 = arith.constant 0 : i32
    return %c0_i32, %c0_i32_0 : i32, i32
  }
  func.func @transform_2(%arg0: i32) -> (i32, i32) {
    %c0_i32 = arith.constant 0 : i32
    %c0_i32_0 = arith.constant 0 : i32
    %c0_i32_1 = arith.constant 0 : i32
    return %c0_i32, %c0_i32_0 : i32, i32
  }
  func.func @transform_3(%arg0: i32) -> (i32, i32, i32) {
    %c0_i32 = arith.constant 0 : i32
    %c0_i32_0 = arith.constant 0 : i32
    %c0_i32_1 = arith.constant 0 : i32
    return %arg0, %c0_i32, %c0_i32_0 : i32, i32, i32
  }
  func.func @transform_4(%arg0: i32) -> (i32, i32, i32) {
    %c0_i32 = arith.constant 0 : i32
    %c0_i32_0 = arith.constant 0 : i32
    %c0_i32_1 = arith.constant 0 : i32
    return %arg0, %c0_i32, %c0_i32_0 : i32, i32, i32
  }
  func.func @transform_5(%arg0: i32) -> (i32, i32) {
    %c0_i32 = arith.constant 0 : i32
    %c0_i32_0 = arith.constant 0 : i32
    %c0_i32_1 = arith.constant 0 : i32
    return %c0_i32, %c0_i32_0 : i32, i32
  }
  func.func @transform_6(%arg0: i32) -> (i32, i32) {
    %c0_i32 = arith.constant 0 : i32
    %c0_i32_0 = arith.constant 0 : i32
    %c0_i32_1 = arith.constant 0 : i32
    return %c0_i32, %c0_i32_0 : i32, i32
  }
}

module attributes {stable_mosaic.version = 14 : i64} {
  func.func @_ffn_body(%arg0: i32, %arg1: memref<8x128xi32, #tpu.memory_space<smem>>, %arg2: memref<128x1024xf32, #tpu.memory_space<vmem>>, %arg3: memref<1x1536x1024xf32, #tpu.memory_space<vmem>>, %arg4: memref<1x1024x768xf32, #tpu.memory_space<vmem>>, %arg5: memref<128x1024xf32, #tpu.memory_space<vmem>>) attributes {dimension_semantics = [#tpu.dimension_semantics<arbitrary>], iteration_bounds = array<i64: 95>, scalar_prefetch = 1 : i64, scratch_operands = 0 : i64, tpu.core_type = #tpu.core_type<tc>, window_params = [{transform_indices = @transform_0, window_bounds = array<i64: 128, 1024>}, {transform_indices = @transform_1, window_bounds = array<i64: 1, 1536, 1024>}, {transform_indices = @transform_2, window_bounds = array<i64: 1, 1024, 768>}, {transform_indices = @transform_3, window_bounds = array<i64: 128, 1024>}]} {
    %get3A = arith.constant 1 : index
    %get3A_0 = arith.constant 0 : index
    %get3A_1 = memref.load %arg1[%get3A, %get3A_0] : memref<8x128xi32, #tpu.memory_space<smem>>
    %lt3A = arith.cmpi slt, %arg0, %get3A_1 : i32
    %convert_element_type3A = arith.extui %lt3A : i1 to i32
    %cond3A = arith.constant 0 : i32
    %cond3A_2 = arith.cmpi ne, %convert_element_type3A, %cond3A : i32
    scf.if %cond3A_2 {
      %get3A_9 = arith.constant 0 : index
      %get3A_10 = arith.constant 0 : index
      %get3A_11 = vector.load %arg2[%get3A_9, %get3A_10] : memref<128x1024xf32, #tpu.memory_space<vmem>>, vector<128x1024xf32>
      %get3A_12 = arith.constant 0 : index
      %get3A_13 = arith.constant 0 : index
      %get3A_14 = arith.constant 0 : index
      %get3A_15 = vector.load %arg3[%get3A_12, %get3A_13, %get3A_14] : memref<1x1536x1024xf32, #tpu.memory_space<vmem>>, vector<1x1536x1024xf32>
      %get3A_16 = vector.shape_cast %get3A_15 : vector<1x1536x1024xf32> to vector<1536x1024xf32>
      %dot_general3A = arith.constant dense<0.000000e+00> : vector<128x1536xf32>
      %dot_general3A_17 = tpu.matmul %get3A_11, %get3A_16, %dot_general3A {dimension_numbers = #tpu.dot_dimension_numbers<[1], [1], [0], [0], [0, 0, 1, 0], [], []>, transpose_lhs_hint = false} : vector<128x1024xf32>, vector<1536x1024xf32>, vector<128x1536xf32> -> vector<128x1536xf32>
      %slice3A = vector.extract_strided_slice %dot_general3A_17 {offsets = [0, 0], sizes = [128, 768], strides = [1, 1]} : vector<128x1536xf32> to vector<128x768xf32>
      %slice3A_18 = vector.extract_strided_slice %dot_general3A_17 {offsets = [0, 768], sizes = [128, 768], strides = [1, 1]} : vector<128x1536xf32> to vector<128x768xf32>
      %logistic3A = arith.negf %slice3A : vector<128x768xf32>
      %logistic3A_19 = math.exp %logistic3A : vector<128x768xf32>
      %logistic3A_20 = arith.constant 1.000000e+00 : f32
      %logistic3A_21 = vector.broadcast %logistic3A_20 : f32 to vector<128x768xf32>
      %logistic3A_22 = arith.addf %logistic3A_21, %logistic3A_19 : vector<128x768xf32>
      %logistic3A_23 = arith.divf %logistic3A_21, %logistic3A_22 : vector<128x768xf32>
      %mul3A = arith.mulf %slice3A, %logistic3A_23 : vector<128x768xf32>
      %mul3A_24 = arith.mulf %mul3A, %slice3A_18 : vector<128x768xf32>
      %get3A_25 = arith.constant 0 : index
      %get3A_26 = arith.constant 0 : index
      %get3A_27 = arith.constant 0 : index
      %get3A_28 = vector.load %arg4[%get3A_25, %get3A_26, %get3A_27] : memref<1x1024x768xf32, #tpu.memory_space<vmem>>, vector<1x1024x768xf32>
      %get3A_29 = vector.shape_cast %get3A_28 : vector<1x1024x768xf32> to vector<1024x768xf32>
      %dot_general3A_30 = arith.constant dense<0.000000e+00> : vector<128x1024xf32>
      %dot_general3A_31 = tpu.matmul %mul3A_24, %get3A_29, %dot_general3A_30 {dimension_numbers = #tpu.dot_dimension_numbers<[1], [1], [0], [0], [0, 0, 1, 0], [], []>, transpose_lhs_hint = false} : vector<128x768xf32>, vector<1024x768xf32>, vector<128x1024xf32> -> vector<128x1024xf32>
      %swap3A = arith.constant 0 : index
      %swap3A_32 = arith.constant 0 : index
      %swap3A_33 = vector.load %arg5[%swap3A, %swap3A_32] : memref<128x1024xf32, #tpu.memory_space<vmem>>, vector<128x1024xf32>
      tpu.vector_store %arg5[%swap3A, %swap3A_32], %dot_general3A_31 {strides = array<i32>} : memref<128x1024xf32, #tpu.memory_space<vmem>>, vector<128x1024xf32>,
    } else {
    }
    %get3A_3 = arith.constant 1 : index
    %get3A_4 = arith.constant 0 : index
    %get3A_5 = memref.load %arg1[%get3A_3, %get3A_4] : memref<8x128xi32, #tpu.memory_space<smem>>
    %ge3A = arith.cmpi sge, %arg0, %get3A_5 : i32
    %convert_element_type3A_6 = arith.extui %ge3A : i1 to i32
    %cond3A_7 = arith.constant 0 : i32
    %cond3A_8 = arith.cmpi ne, %convert_element_type3A_6, %cond3A_7 : i32
    scf.if %cond3A_8 {
      %broadcast_in_dim3A = arith.constant 0.000000e+00 : f32
      %broadcast_in_dim3A_9 = vector.broadcast %broadcast_in_dim3A : f32 to vector<128x1024xf32>
      %swap3A = arith.constant 0 : index
      %swap3A_10 = arith.constant 0 : index
      %swap3A_11 = vector.load %arg5[%swap3A, %swap3A_10] : memref<128x1024xf32, #tpu.memory_space<vmem>>, vector<128x1024xf32>
      tpu.vector_store %arg5[%swap3A, %swap3A_10], %broadcast_in_dim3A_9 {strides = array<i32>} : memref<128x1024xf32, #tpu.memory_space<vmem>>, vector<128x1024xf32>,
    } else {
    }
    return
  }
  func.func @transform_0(%arg0: i32, %arg1: memref<8x128xi32, #tpu.memory_space<smem>>) -> (i32, i32) {
    %c0_i32 = arith.constant 0 : i32
    %c0_i32_0 = arith.constant 0 : i32
    return %arg0, %c0_i32 : i32, i32
  }
  func.func @transform_1(%arg0: i32, %arg1: memref<8x128xi32, #tpu.memory_space<smem>>) -> (i32, i32, i32) {
    %get3A = arith.constant 0 : index
    %get3A_0 = arith.index_cast %arg0 : i32 to index
    %get3A_1 = memref.load %arg1[%get3A, %get3A_0] : memref<8x128xi32, #tpu.memory_space<smem>>
    %c0_i32 = arith.constant 0 : i32
    %c0_i32_2 = arith.constant 0 : i32
    %c0_i32_3 = arith.constant 0 : i32
    return %get3A_1, %c0_i32, %c0_i32_2 : i32, i32, i32
  }
  func.func @transform_2(%arg0: i32, %arg1: memref<8x128xi32, #tpu.memory_space<smem>>) -> (i32, i32, i32) {
    %get3A = arith.constant 0 : index
    %get3A_0 = arith.index_cast %arg0 : i32 to index
    %get3A_1 = memref.load %arg1[%get3A, %get3A_0] : memref<8x128xi32, #tpu.memory_space<smem>>
    %c0_i32 = arith.constant 0 : i32
    %c0_i32_2 = arith.constant 0 : i32
    %c0_i32_3 = arith.constant 0 : i32
    return %get3A_1, %c0_i32, %c0_i32_2 : i32, i32, i32
  }
  func.func @transform_3(%arg0: i32, %arg1: memref<8x128xi32, #tpu.memory_space<smem>>) -> (i32, i32) {
    %c0_i32 = arith.constant 0 : i32
    %c0_i32_0 = arith.constant 0 : i32
    return %arg0, %c0_i32 : i32, i32
  }
}

</mosaic_0001>

<sc_bundles>
// kernel: gather_offload_async_start.1
scs
__scs_entry_jumppad:
0x0: {  	(pc) =	sbr.rel $0x88, $3  }
0x1: {  	(tag) =	ssettag $0x0;
	lr =	simm.s32 $0x1  }
0x2: {  	[smem:$0x3F9C] =	sst lr;
	_ =	strace $0xD0000000  }
0x3: {  	_ = 	snop  }
0x4: {  	_ = 	snop  }
0x5: {  	_ = 	snop  }
0x6: {  	_ = 	snop  }
0x7: {  	_ = 	snop  }
__scs_overlays_trampoline_lowered:
0x8: {  	[smem:$0x3FAB] =	sst s0  }
0x9: {  	[smem:$0x3FAC] =	sst s1  }
0xa: {  	[smem:$0x3FAD] =	sst s2  }
0xb: {  	[smem:$0x3FAE] =	sst s3  }
0xc: {  	[smem:$0x3FAF] =	sst s4  }
0xd: {  	[smem:$0x3FB0] =	sst s5  }
0xe: {  	[smem:$0x3FB1] =	sst s6  }
0xf: {  	[smem:$0x3FB2] =	sst s7  }
0x10: {  	[smem:$0x3FB3] =	sst s8  }
0x11: {  	[smem:$0x3FB4] =	sst s9;
	s0 =	simm.s32 @!p0 $0x0  }
0x12: {  	s1 =	sld [smem:$0x3F9A];
	s0 =	simm.s32 @p0 $0x1  }
0x13: {  	[smem:$0x3FB5] =	sst s0;
	s0 =	simm.s32 @!p1 $0x0  }
0x14: {  	s2 =	sld [smem:$0x3F99];
	s0 =	simm.s32 @p1 $0x1  }
0x15: {  	[smem:$0x3FB6] =	sst s0;
	s0 =	simm.s32 @!p2 $0x0  }
0x16: {  	s3 =	sld [smem:$0x3FDB];
	s0 =	simm.s32 @p2 $0x1  }
0x17: {  	s4 =	simm.s32 $0x1BF5;
	[smem:$0x3FB8] =	sst s0  }
0x18: {  	s0 =	sld [smem:$0x3F9B];
	_ =	swait.ge [sflag:s4], $0x0  }
0x19: {  	s7 =	sld [smem:$0x3F9C]  }
0x1a: {  	s8 =	sadd.s32 $0xFFFFE003, lr  }
0x1b: {  	s9 =	sadd.s32 $0xFFFFFEF7, lr;
	s5 =	simm.s32 $0xFFFFFFFF;
	p2 =	slt.u32 s8, $0xFFFFF086  }
0x1c: {  	p1 =	slt.u32 s9, $0xF7A;
	s5 =	simm.s32 @!p2 $0x0  }
0x1d: {  	s5 =	simm.s32 @p1 $0x1;
	p0 =	seq.s32 s7, s2  }
0x1e: {  	s7 =	smul.u32 @!p0 $0xF7A, s2;
	p2 =	seq.s32 @!p0 s5, $0x0  }
0x1f: {  	s9 =	smul.u32 $0xF7A, s1;
	s8 =	simm.s32 @!p0 $0x1BF5;
	p2 =	por !p2, p0  }
0x20: {  	[sflag:s8] =	ssyncset.s32 @!p0 $0xFFFFF086;
	s6 =	sadd.s32 @!p0 s3, s7;
	s7 =	simm.s32 @!p0 $0x108  }
0x21: {  	s3 =	sadd.s32 s3, s9;
	s6 =	sadd.s32 @!p0 $0x88, s6;
	s7 =	simm.s32 @p2 $0x1082  }
0x22: {  	[simem:s7], [sflag:s8] =	dma.local @!p0 [hbm:s6], $0xF7A  }
0x23: {  	s9 =	sor.u32 $0xD0000000, s2;
	s6 =	simm.s32 $0x108;
	_ =	swait.ge @!p0 [sflag:s8], $0x0  }
0x24: {  	s3 =	sadd.s32 $0x88, s3;
	s6 =	simm.s32 @!p1 $0x1082;
	[sflag:s4] =	ssyncset.s32 $0xFFFFF086  }
0x25: {  	[simem:s6], [sflag:s4] =	dma.local [hbm:s3], $0xF7A  }
0x26: {  	[smem:$0x3F9C] =	sst s1;
	(tag) =	ssettag s2;
	_ =	strace s9  }
0x27: {  	s1 =	sld [smem:$0x3FAC]  }
0x28: {  	s2 =	sld [smem:$0x3FAD]  }
0x29: {  	s4 =	sld [smem:$0x3FAF]  }
0x2a: {  	p0 =	seq.s32 s5, $0x0;
	s5 =	sld [smem:$0x3FB0]  }
0x2b: {  	s6 =	sld [smem:$0x3FB1]  }
0x2c: {  	s7 =	sld [smem:$0x3FB2]  }
0x2d: {  	s3 =	simm.s32 $0x108;
	s8 =	sld [smem:$0x3FB3]  }
0x2e: {  	s3 =	simm.s32 @!p0 $0x1082;
	s9 =	sld [smem:$0x3FB4]  }
0x2f: {  	lr =	sadd.s32 s0, s3;
	s0 =	sld [smem:$0x3FAB]  }
0x30: {  	s3 =	sld [smem:$0x3FAE]  }
0x31: {  	[smem:$0x3FB7] =	sst s10  }
0x32: {  	s10 =	sld [smem:$0x3FB5];
	_ =	sdelay $0x3  }
0x33: {  	p0 =	seq.s32 s10, $0x1;
	s10 =	sld [smem:$0x3FB7];
	_ =	sdelay $0x3  }
0x34: {  	[smem:$0x3FB7] =	sst s10  }
0x35: {  	s10 =	sld [smem:$0x3FB6];
	_ =	sdelay $0x3  }
0x36: {  	p1 =	seq.s32 s10, $0x1;
	s10 =	sld [smem:$0x3FB7];
	_ =	sdelay $0x3  }
0x37: {  	[smem:$0x3FB7] =	sst s10  }
0x38: {  	s10 =	sld [smem:$0x3FB8]  }
0x39: {  	_ = 	snop;
	(pc) =	sbr.ind lr, $3  }
0x3a: {  	_ = 	snop  }
0x3b: {  	_ = 	snop  }
0x3c: {  	p2 =	seq.s32 s10, $0x1;
	s10 =	sld [smem:$0x3FB7]  }
0x3d: {  	_ =	shalt  }
0x3e: {  	_ =	shalt  }
0x3f: {  	_ =	shalt  }
0x40: {  	_ =	shalt  }
0x41: {  	_ =	shalt  }
0x42: {  	_ =	shalt  }
0x43: {  	_ =	shalt  }
0x44: {  	_ =	shalt  }
0x45: {  	_ =	shalt  }
0x46: {  	_ =	shalt  }
0x47: {  	_ =	shalt  }
0x48: {  	_ =	shalt  }
0x49: {  	_ =	shalt  }
0x4a: {  	_ =	shalt  }
0x4b: {  	_ =	shalt  }
0x4c: {  	_ =	shalt  }
0x4d: {  	_ =	shalt  }
0x4e: {  	_ =	shalt  }
0x4f: {  	_ =	shalt  }
0x50: {  	_ =	shalt  }
0x51: {  	_ =	shalt  }
0x52: {  	_ =	shalt  }
0x53: {  	_ =	shalt  }
0x54: {  	_ =	shalt  }
0x55: {  	_ =	shalt  }
0x56: {  	_ =	shalt  }
0x57: {  	_ =	shalt  }
0x58: {  	_ =	shalt  }
0x59: {  	_ =	shalt  }
0x5a: {  	_ =	shalt  }
0x5b: {  	_ =	shalt  }
0x5c: {  	_ =	shalt  }
0x5d: {  	_ =	shalt  }
0x5e: {  	_ =	shalt  }
0x5f: {  	_ =	shalt  }
0x60: {  	_ =	shalt  }
0x61: {  	_ =	shalt  }
0x62: {  	_ =	shalt  }
0x63: {  	_ =	shalt  }
0x64: {  	_ =	shalt  }
0x65: {  	_ =	shalt  }
0x66: {  	_ =	shalt  }
0x67: {  	_ =	shalt  }
0x68: {  	_ =	shalt  }
0x69: {  	_ =	shalt  }
0x6a: {  	_ =	shalt  }
0x6b: {  	_ =	shalt  }
0x6c: {  	_ =	shalt  }
0x6d: {  	_ =	shalt  }
0x6e: {  	_ =	shalt  }
0x6f: {  	_ =	shalt  }
0x70: {  	_ =	shalt  }
0x71: {  	_ =	shalt  }
0x72: {  	_ =	shalt  }
0x73: {  	_ =	shalt  }
0x74: {  	_ =	shalt  }
0x75: {  	_ =	shalt  }
0x76: {  	_ =	shalt  }
0x77: {  	_ =	shalt  }
0x78: {  	_ =	shalt  }
0x79: {  	_ =	shalt  }
0x7a: {  	_ =	shalt  }
0x7b: {  	_ =	shalt  }
0x7c: {  	_ =	shalt  }
0x7d: {  	_ =	shalt  }
0x7e: {  	_ =	shalt  }
0x7f: {  	_ =	shalt  }
0x80: {  	_ =	shalt  }
0x81: {  	_ =	shalt  }
0x82: {  	_ =	shalt  }
0x83: {  	_ =	shalt  }
0x84: {  	_ =	shalt  }
0x85: {  	_ =	shalt  }
0x86: {  	_ =	shalt  }
0x87: {  	_ =	shalt  }
.Lfunc_end0:
.L_simem_size_0:
called_computation.1_lowered:
.L_overlay_start_0:
0x88: {  	s2 =	sld [smem:$0x3FD9]  }
0x89: {  	s3 =	sld [smem:$0x3FFE];
	_ =	sdelay $0x1  }
0x8a: {  	s1 =	srdreg.scid  }
0x8b: {  	s0 =	sand.u32 $0x1, s1  }
0x8c: {  	s17 =	sshll.u32 s0, $0xA;
	s2 =	sadd.s32 s3, s2  }
0x8d: {  	s2 =	sadd.s32 s2, s17  }
0x8e: {  	[smem:$0x3FC3] =	sst s2  }
0x8f: {  	_ = 	snop  }
0x90: {  	s18 =	sld [smem:$0x3FD0];
	(tm) =	ssettm $0x1  }
0x91: {  	s19 =	sld [smem:$0x3FFB];
	_ =	sdelay $0x3  }
0x92: {  	_ =	strace s19  }
0x93: {  	s2 =	sld [smem:$0x3FFC];
	_ =	sdelay $0x3  }
0x94: {  	_ =	strace s2  }
0x95: {  	s2 =	sld [smem:$0x3FFD];
	_ =	sdelay $0x3  }
0x96: {  	_ =	strace s2  }
0x97: {  	_ =	strace $0x8FFFFFFF  }
0x98: {  	s20 =	sld [smem:$0x3FDB];
	_ =	sdelay $0x1  }
0x99: {  	s4 =	simm.s32 $_scs_section_size  }
0x9a: {  	s5 =	simm.s32 $_size__tile_overlayer_lowered;
	s6 =	simm.s32 $_tile_overlayer_lowered  }
0x9b: {  	s7 =	simm.s32 $0x1BFF;
	s21 =	sshll.u32 s6, $0x1;
	s4 =	sadd.s32 s4, s20  }
0x9c: {  	s22 =	simm.s32 $0x0;
	s5 =	sshll.u32 s5, $0x1;
	s6 =	sadd.s32 s21, s4  }
0x9d: {  	[timem:s22], [sflag:s7] =	dma.local [hbm:s6], s5  }
0x9e: {  	_ =	swait.ge [sflag:s7], s5  }
0x9f: {  	s5 =	ssub.s32 $0x0, s5;
	[sflag:s7] =	ssyncset.done $0x0  }
0xa0: {  	[sflag:s7] =	ssyncadd.s32 s5;
	_ =	sdelay $0x1  }
0xa1: {  	s23 =	simm.s32 $0x1B8B  }
0xa2: {  	_ =	swait.ge [sflag:s23], $0x1  }
0xa3: {  	[sflag:s23] =	ssyncset.done $0x0  }
0xa4: {  	[sflag:s23] =	ssyncadd.s32 $0xFFFFFFFF  }
0xa5: {  	s5 =	sld [smem:$0x0]  }
0xa6: {  	s6 =	sand.u32 $0xFFFFFFFE, s1  }
0xa7: {  	p0 =	sne.s32 s1, s6  }
0xa8: {  	s6 =	sshll.u32 @p0 s6, $0xE  }
0xa9: {  	s6 =	sadd.s32 @p0 $0x11B8D, s6;
	s7 =	sshll.u32 @p0 s5, $0x11  }
0xaa: {  	s6 =	sor.u32 @p0 s7, s6  }
0xab: {  	[sflag:s6] =	ssyncadd.remote.s32 @p0 $0x1;
	_ =	sdelay $0x1  }
0xac: {  	s6 =	simm.s32 @p0 $0x1B8D  }
0xad: {  	_ =	swait.eq @p0 [sflag:s6], $0x1  }
0xae: {  	[sflag:s6] =	ssyncadd.s32 @p0 $0xFFFFFFFF  }
0xaf: {  	s7 =	sshll.u32 @!p0 s1, $0xE  }
0xb0: {  	s7 =	sor.u32 @!p0 $0x4000, s7;
	s6 =	simm.s32 @!p0 $0x1B8D  }
0xb1: {  	s5 =	sshll.u32 @!p0 s5, $0x11;
	s7 =	sadd.s32 @!p0 $0x11B8D, s7;
	_ =	swait.eq @!p0 [sflag:s6], $0x1  }
0xb2: {  	s5 =	sor.u32 @!p0 s5, s7;
	[sflag:s6] =	ssyncadd.s32 @!p0 $0xFFFFFFFF  }
0xb3: {  	s25 =	simm.s32 $0x1B8E;
	s24 =	sld [smem:$0x3FFE];
	[sflag:s5] =	ssyncadd.remote.s32 @!p0 $0x1  }
0xb4: {  	s26 =	simm.s32 $execute0_lowered;
	[smem:$0x3FD2] =	sst s25  }
0xb5: {  	s6 =	sshll.u32 s26, $0x1;
	_ =	strace $0x80000049;
	[dreg:$0x1] =	wrdreg $0xFFFFFFFF  }
0xb6: {  	s28 =	simm.s32 $_size_execute0_lowered;
	s4 =	sadd.s32 s4, s6;
	[dreg:$0x0] =	wrdreg $0x0  }
0xb7: {  	s6 =	sshll.u32 s28, $0x1;
	[dreg:$0x2] =	wrdreg s4  }
0xb8: {  	[dreg:$0x3] =	wrdreg s6  }
0xb9: {  	[dreg:$0x4] =	wrdreg $0xC0  }
0xba: {  	_ =	task [dreg:s22], $0x5FFFF  }
0xbb: {  	[dreg:$0x1] =	wrdreg $0xFFFFFFFF  }
0xbc: {  	[dreg:$0x0] =	wrdreg $0x60  }
0xbd: {  	[dreg:$0x2] =	wrdreg s24  }
0xbe: {  	[dreg:$0x3] =	wrdreg s18  }
0xbf: {  	[dreg:$0x4] =	wrdreg $0xA  }
0xc0: {  	_ =	task.clear_ibuf [dreg:s22], $0x5FFFF;
	_ =	strace $0x90000049  }
0xc1: {  	s29 =	simm.s32 $0xA;
	_ =	strace $0x8000004B  }
0xc2: {  	_ =	swait.ge [sflag:s29], $0x1  }
0xc3: {  	[sflag:s29] =	ssyncadd.s32 $0xFFFFFFFF  }
0xc4: {  	_ =	strace $0x9000004B  }
0xc5: {  	_ =	sfence  }
0xc6: {  	s30 =	sld [smem:$0x0];
	_ =	sdelay $0x2  }
0xc7: {  	s31 =	sshll.u32 s1, $0xD;
	s1 =	sshrl.u32 s1, $0x2  }
0xc8: {  	s4 =	sand.u32 $0x4000, s31;
	s1 =	sadd.s32 s1, s30  }
0xc9: {  	s0 =	sor.u32 s4, s0;
	s1 =	sshll.u32 s1, $0x11  }
0xca: {  	s0 =	sor.u32 s1, s0  }
0xcb: {  	s0 =	sadd.s32 $0x8F2B, s0  }
0xcc: {  	[sflag:s0] =	ssyncadd.remote.s32 $0x1  }
0xcd: {  	_ =	sfence.sel $0xFFFF  }
0xce: {  	[dreg:$0x0] =	wrdreg $0xFFFFFFFF;
	(pc) =	sbr.abs _section_cstart, $3  }
0xcf: {  	[dreg:$0x1] =	wrdreg $0xFFFFFFFF  }
0xd0: {  	_ =	task.clear_ibuf [dreg:s22], $0x2FFFF;
	_ =	strace $0x9FFFFFFF  }
0xd1: {  	(tm) =	ssettm $0x7FFFFFFF  }
tec
execute0_lowered:
.L_overlay_start_1:
0x0: {  	(tag) =	ssettag $0x1  }
0x1: {  	s7 =	rddreg [dreg:$0x0]  }
0x2: {  	s2 =	rddreg [dreg:$0x1]  }
0x3: {  	s0 =	rddreg [dreg:$0x2]  }
0x4: {  	s1 =	srdreg.scid;
	_ =	strace $0x8000004A;
	s4 =	simm.s32 $0x1  }
0x5: {  	s9 =	simm.s32 $0x3;
	s11 =	simm.s32 $0x0;
	s5 =	sshll.u32 s1, $0x4  }
.Ltmp0:
0x6: {  	s1 =	stileid.u32;
	s5 =	sand.u32 $0x10, s5;
	(pc) =	sbr.rel .LBB2_1-.Ltmp0, $4  }
0x7: {  	p0 =	por $0x0, $0x0;
	s3 =	sadd.s32 $0x17EC00, s7;
	s6 =	sor.u32 s1, s5  }
0x8: {  	[sflag:s4] =	ssyncpa.u1 $0x0;
	s5 =	simm.s32 $0x2;
	s6 =	sshll.u32 s6, $0x6  }
0x9: {  	s7 =	sadd.s32 $0x42600, s7;
	[sflag:s5] =	ssyncpa.u1 $0x0;
	s8 =	sadd.s32 $0x40, s6  }
0xa: {  	vm0 =	vmmov $0xff;
	vm1 =	vcmask $0x3F20;
	[sflag:s9] =	ssyncpa.u1 $0x0;
	s10 =	smov.u32 s6;
	s9 =	simm.s32 $0x0  }
.LBB2_9:
0xb: {  	p1 =	slt.u32 s9, $0x2;
	s11 =	sadd.s32 $0x20, s10  }
0xc: {  	s13 =	smov.u32 s6;
	s9 =	sadd.s32 $0x1, s9;
	p2 =	slt.s32 s11, s8  }
0xd: {  	s13 =	smov.u32 @p2 s11;
	p2 =	sne.s32 s9, $0x4  }
.Ltmp1:
0xe: {  	_ = 	snop;
	(pc) =	sbr.rel @!p2 .LBB2_10-.Ltmp1, $4  }
0xf: {  	s12 =	simm.s32 @!p1 $0x3  }
0x10: {  	_ =	swait.ge @!p1 [sflag:s12], $0x8000  }
0x11: {  	p0 =	por !p0, !p0;
	[sflag:s12] =	ssyncset.done @!p1 $0x0  }
0x12: {  	s11 =	smov.u32 s10;
	s10 =	smov.u32 s13;
	[sflag:s12] =	ssyncadd.s32 @!p1 $0xFFFF8000  }
.LBB2_1:
0x13: {  	p1 =	sgt.u32 s9, $0x1  }
0x14: {  	s12 =	sshll.u32 @!p1 s9, $0x5;
	s13 =	sshrl.u32 @!p1 s10, $0x3  }
0x15: {  	s14 =	sand.u32 @!p1 $0x7, s10;
	s12 =	sxor.u32 @!p1 $0x20, s12;
	s13 =	sadd.s32 @!p1 s7, s13  }
0x16: {  	[tilespmem:s12], [sflag:$0x2] =	stream.linear.gather @!p1 [hbm4b:s13+s14], $0x20, $0x38;
	[tilespmem:$0x10040] =	vst v63  }
0x17: {  	p1 =	seq.s32 s9, $0x0  }
0x18: {  	p2 =	seq.s32 @!p1 s9, $0x3  }
0x19: {  	p1 =	por p1, p2  }
.Ltmp2:
0x1a: {  	_ = 	snop;
	(pc) =	sbr.rel @p1 .LBB2_9-.Ltmp2, $1  }
0x1b: {  	_ =	sdelay $0x3  }
0x1c: {  	s12 =	simm.s32 $0x1  }
0x1d: {  	_ =	swait.ge [sflag:s5], $0x20;
	s13 =	sand.u32 $0x1, s9;
	s12 =	simm.s32 @!p0 $0x0  }
0x1e: {  	s15 =	simm.s32 $0x0;
	p2 =	por $0x1, $0x1;
	s12 =	sshll.u32 s12, $0x11  }
0x1f: {  	[sflag:s5] =	ssyncset.done $0x0;
	s13 =	sshll.u32 s13, $0x5;
	s14 =	sshrl.u32 s12, $0x2  }
0x20: {  	[sflag:s5] =	ssyncadd.s32 $0xFFFFFFE0;
	s12 =	sor.u32 $0x40, s14;
	s14 =	sadd.s32 $0x40, s14  }
.LBB2_3:
0x21: {  	s16 =	sshll.u32 s15, $0x4  }
0x22: {  	s16 =	sand.u32 $0x3FFFFFF0, s16  }
0x23: {  	s16 =	sadd.s32 s16, s13  }
0x24: {  	v0 =	vld.msk [tilespmem:s16+$0x0 ss:$0x1], $0xffff;
	_ =	sdelay $0x4  }
0x25: {  	vm2 =	vgt.s32 v0, $0x0  }
0x26: {  	v0 =	vnsel vm2, $0x0, v0  }
0x27: {  	v0 =	vmin.u32 v0, $0x2F7F  }
0x28: {  	v1 =	vshll.u32 v0, $0x7;
	v0 =	vshll.u32 v0, $0x4  }
0x29: {  	v1 =	vand.u32 $0x1FFC00, v1;
	v0 =	vand.u32 $0x70, v0  }
0x2a: {  	v0 =	vor.u32 v0, v1  }
0x2b: {  	s31 =	sshll.u32 s15, $0x10  }
0x2c: {  	s15 =	sshra.s32 s31, $0x2  }
0x2d: {  	s15 =	sadd.s32 s15, s14  }
0x2e: {  	s17 =	sadd.s32 $0x0, s15  }
0x2f: {  	[tilespmem:s17], [sflag:$0x1] =	stream.indirect_vreg.gather [hbm:s3], $0x80, v0, vm0, $0x38;
	[tilespmem:$0x10040] =	vst v63  }
0x30: {  	p1 =	por p2, p2;
	s16 =	simm.s32 $0x1000;
	v1 =	vadd.s32 $0x80, v0;
	s17 =	sadd.s32 $0x2000, s17  }
.LBB2_4:
0x31: {  	[tilespmem:s17], [sflag:$0x1] =	stream.indirect_vreg.gather [hbm:s3], $0x80, v0, vm1, $0x38;
	[tilespmem:$0x10040] =	vst v63  }
0x32: {  	v0 =	vmov v1;
	s17 =	smov.u32 s16;
	p2 =	sne.s32 s16, $0x7000  }
.Ltmp3:
0x33: {  	s16 =	sadd.s32 $0x1000, s16;
	(pc) =	sbr.rel @p2 .LBB2_4-.Ltmp3, $4  }
0x34: {  	s17 =	sshra.s32 s17, $0x2  }
0x35: {  	s17 =	sadd.s32 s17, s15  }
0x36: {  	[tilespmem:s17], [sflag:$0x1] =	stream.indirect_vreg.gather [hbm:s3], $0x80, v1, vm0, $0x38;
	[tilespmem:$0x10040] =	vst v63  }
0x37: {  	s17 =	sadd.s32 $0x2000, s17;
	v1 =	vadd.s32 $0x80, v1  }
0x38: {  	_ = 	snop  }
.Ltmp4:
0x39: {  	_ = 	snop;
	(pc) =	sbr.rel @p1 .LBB2_3-.Ltmp4, $3  }
0x3a: {  	_ =	sdelay $0x1  }
0x3b: {  	[tilespmem:s17], [sflag:$0x1] =	stream.indirect_vreg.gather [hbm:s3], $0x80, v0, vm1, $0x38;
	[tilespmem:$0x10040] =	vst v63  }
0x3c: {  	s15 =	simm.s32 $0x1;
	p2 =	por $0x0, $0x0  }
0x3d: {  	s13 =	sshll.u32 s11, $0x7  }
0x3e: {  	s31 =	sshll.u32 s11, $0x4;
	s13 =	sand.u32 $0xFFFFFC00, s13  }
0x3f: {  	_ =	swait.ge [sflag:s4], $0x8000;
	s11 =	sand.u32 $0x70, s31;
	s13 =	sadd.s32 s13, s2  }
0x40: {  	s14 =	sadd.s32 $0x2000, s12;
	[sflag:s4] =	ssyncset.done $0x0;
	s11 =	sadd.s32 s11, s13  }
0x41: {  	[sflag:s4] =	ssyncadd.s32 $0xFFFF8000;
	s13 =	simm.s32 $0x400;
	s15 =	sadd.s32 $0x0, s11  }
.LBB2_7:
0x42: {  	[hbm:s15] =	stream.linear.scatter [tilespmem:s12], [sflag:$0x3], $0x2000, $0x38;
	[tilespmem:$0x10040] =	vst v63  }
0x43: {  	s15 =	smov.u32 s13;
	s12 =	smov.u32 s14;
	p1 =	sne.s32 s13, $0xC00  }
.Ltmp5:
0x44: {  	s13 =	sadd.s32 $0x400, s13;
	(pc) =	sbr.rel @p1 .LBB2_7-.Ltmp5, $2  }
0x45: {  	_ =	sdelay $0x2  }
0x46: {  	s14 =	sadd.s32 $0x2000, s14;
	s15 =	sadd.s32 s15, s11  }
.Ltmp6:
0x47: {  	(pc) =	sbr.rel .LBB2_9-.Ltmp6, $2  }
0x48: {  	_ =	sdelay $0x2  }
0x49: {  	[hbm:s15] =	stream.linear.scatter [tilespmem:s12], [sflag:$0x3], $0x2000, $0x38;
	[tilespmem:$0x10040] =	vst v63  }
.LBB2_10:
0x4a: {  	_ =	sfence.sel $0x180000  }
0x4b: {  	s2 =	simm.s32 $0x2;
	[bflag:$0x0] =	sbarrier.arrive $0xFFFF  }
0x4c: {  	s30 =	simm.s32 $0x3;
	[sflag:s2] =	ssyncpa.u1 $0x1  }
0x4d: {  	s31 =	simm.s32 $0x1;
	[sflag:s30] =	ssyncpa.u1 $0x1  }
0x4e: {  	[sflag:s31] =	ssyncpa.u1 $0x1  }
0x4f: {  	p0 =	sne.s32 s1, $0x0;
	_ =	strace $0x9000004A  }
0x50: {  	s0 =	sadd.s32 @!p0 $0x100000, s0;
	[bflag:$0x2] =	sbarrier.arrive $0xFFFF  }
0x51: {  	[sflag:s0] =	ssyncadd.tile.s32 @!p0 $0x1;
	_ =	shalt  }
.Lfunc_end2:
_tile_overlayer_lowered:
.L_overlay_start_2:
0x52: {  	(tag) =	ssettag $0x2  }
0x53: {  	s0 =	rddreg [dreg:$0x0];
	s2 =	stileid.u32  }
0x54: {  	s1 =	rddreg [dreg:$0x1];
	p0 =	sne.s32 s2, $0x0  }
0x55: {  	s3 =	rddreg [dreg:$0x2];
	[bflag:$0x3] =	sbarrier.arrive $0xFFFF;
	s2 =	simm.s32 @!p0 $0x1C01  }
0x56: {  	[timem:s3], [sflag:s2] =	dma.local @!p0 [hbm:s0], s1  }
0x57: {  	s0 =	simm.s32 @!p0 $0x1  }
0x58: {  	_ =	swait.ge @!p0 [sflag:s0], s1  }
0x59: {  	s1 =	ssub.s32 @!p0 $0x0, s1;
	[sflag:s0] =	ssyncset.done @!p0 $0x0  }
0x5a: {  	[sflag:s0] =	ssyncadd.s32 @!p0 s1  }
0x5b: {  	[bflag:$0x3] =	sbarrier.arrive $0xFFFF  }
0x5c: {  	_ =	shalt  }

// kernel: gather_offload_async_start
scs
__scs_entry_jumppad:
0x0: {  	(pc) =	sbr.rel $0x88, $3  }
0x1: {  	(tag) =	ssettag $0x0;
	lr =	simm.s32 $0x1  }
0x2: {  	[smem:$0x3F9C] =	sst lr;
	_ =	strace $0xD0000000  }
0x3: {  	_ = 	snop  }
0x4: {  	_ = 	snop  }
0x5: {  	_ = 	snop  }
0x6: {  	_ = 	snop  }
0x7: {  	_ = 	snop  }
__scs_overlays_trampoline_lowered:
0x8: {  	[smem:$0x3FAB] =	sst s0  }
0x9: {  	[smem:$0x3FAC] =	sst s1  }
0xa: {  	[smem:$0x3FAD] =	sst s2  }
0xb: {  	[smem:$0x3FAE] =	sst s3  }
0xc: {  	[smem:$0x3FAF] =	sst s4  }
0xd: {  	[smem:$0x3FB0] =	sst s5  }
0xe: {  	[smem:$0x3FB1] =	sst s6  }
0xf: {  	[smem:$0x3FB2] =	sst s7  }
0x10: {  	[smem:$0x3FB3] =	sst s8  }
0x11: {  	[smem:$0x3FB4] =	sst s9;
	s0 =	simm.s32 @!p0 $0x0  }
0x12: {  	s1 =	sld [smem:$0x3F9A];
	s0 =	simm.s32 @p0 $0x1  }
0x13: {  	[smem:$0x3FB5] =	sst s0;
	s0 =	simm.s32 @!p1 $0x0  }
0x14: {  	s2 =	sld [smem:$0x3F99];
	s0 =	simm.s32 @p1 $0x1  }
0x15: {  	[smem:$0x3FB6] =	sst s0;
	s0 =	simm.s32 @!p2 $0x0  }
0x16: {  	s3 =	sld [smem:$0x3FDB];
	s0 =	simm.s32 @p2 $0x1  }
0x17: {  	s4 =	simm.s32 $0x1BF5;
	[smem:$0x3FB8] =	sst s0  }
0x18: {  	s0 =	sld [smem:$0x3F9B];
	_ =	swait.ge [sflag:s4], $0x0  }
0x19: {  	s7 =	sld [smem:$0x3F9C]  }
0x1a: {  	s8 =	sadd.s32 $0xFFFFE003, lr  }
0x1b: {  	s9 =	sadd.s32 $0xFFFFFEF7, lr;
	s5 =	simm.s32 $0xFFFFFFFF;
	p2 =	slt.u32 s8, $0xFFFFF086  }
0x1c: {  	p1 =	slt.u32 s9, $0xF7A;
	s5 =	simm.s32 @!p2 $0x0  }
0x1d: {  	s5 =	simm.s32 @p1 $0x1;
	p0 =	seq.s32 s7, s2  }
0x1e: {  	s7 =	smul.u32 @!p0 $0xF7A, s2;
	p2 =	seq.s32 @!p0 s5, $0x0  }
0x1f: {  	s9 =	smul.u32 $0xF7A, s1;
	s8 =	simm.s32 @!p0 $0x1BF5;
	p2 =	por !p2, p0  }
0x20: {  	[sflag:s8] =	ssyncset.s32 @!p0 $0xFFFFF086;
	s6 =	sadd.s32 @!p0 s3, s7;
	s7 =	simm.s32 @!p0 $0x108  }
0x21: {  	s3 =	sadd.s32 s3, s9;
	s6 =	sadd.s32 @!p0 $0x88, s6;
	s7 =	simm.s32 @p2 $0x1082  }
0x22: {  	[simem:s7], [sflag:s8] =	dma.local @!p0 [hbm:s6], $0xF7A  }
0x23: {  	s9 =	sor.u32 $0xD0000000, s2;
	s6 =	simm.s32 $0x108;
	_ =	swait.ge @!p0 [sflag:s8], $0x0  }
0x24: {  	s3 =	sadd.s32 $0x88, s3;
	s6 =	simm.s32 @!p1 $0x1082;
	[sflag:s4] =	ssyncset.s32 $0xFFFFF086  }
0x25: {  	[simem:s6], [sflag:s4] =	dma.local [hbm:s3], $0xF7A  }
0x26: {  	[smem:$0x3F9C] =	sst s1;
	(tag) =	ssettag s2;
	_ =	strace s9  }
0x27: {  	s1 =	sld [smem:$0x3FAC]  }
0x28: {  	s2 =	sld [smem:$0x3FAD]  }
0x29: {  	s4 =	sld [smem:$0x3FAF]  }
0x2a: {  	p0 =	seq.s32 s5, $0x0;
	s5 =	sld [smem:$0x3FB0]  }
0x2b: {  	s6 =	sld [smem:$0x3FB1]  }
0x2c: {  	s7 =	sld [smem:$0x3FB2]  }
0x2d: {  	s3 =	simm.s32 $0x108;
	s8 =	sld [smem:$0x3FB3]  }
0x2e: {  	s3 =	simm.s32 @!p0 $0x1082;
	s9 =	sld [smem:$0x3FB4]  }
0x2f: {  	lr =	sadd.s32 s0, s3;
	s0 =	sld [smem:$0x3FAB]  }
0x30: {  	s3 =	sld [smem:$0x3FAE]  }
0x31: {  	[smem:$0x3FB7] =	sst s10  }
0x32: {  	s10 =	sld [smem:$0x3FB5];
	_ =	sdelay $0x3  }
0x33: {  	p0 =	seq.s32 s10, $0x1;
	s10 =	sld [smem:$0x3FB7];
	_ =	sdelay $0x3  }
0x34: {  	[smem:$0x3FB7] =	sst s10  }
0x35: {  	s10 =	sld [smem:$0x3FB6];
	_ =	sdelay $0x3  }
0x36: {  	p1 =	seq.s32 s10, $0x1;
	s10 =	sld [smem:$0x3FB7];
	_ =	sdelay $0x3  }
0x37: {  	[smem:$0x3FB7] =	sst s10  }
0x38: {  	s10 =	sld [smem:$0x3FB8]  }
0x39: {  	_ = 	snop;
	(pc) =	sbr.ind lr, $3  }
0x3a: {  	_ = 	snop  }
0x3b: {  	_ = 	snop  }
0x3c: {  	p2 =	seq.s32 s10, $0x1;
	s10 =	sld [smem:$0x3FB7]  }
0x3d: {  	_ =	shalt  }
0x3e: {  	_ =	shalt  }
0x3f: {  	_ =	shalt  }
0x40: {  	_ =	shalt  }
0x41: {  	_ =	shalt  }
0x42: {  	_ =	shalt  }
0x43: {  	_ =	shalt  }
0x44: {  	_ =	shalt  }
0x45: {  	_ =	shalt  }
0x46: {  	_ =	shalt  }
0x47: {  	_ =	shalt  }
0x48: {  	_ =	shalt  }
0x49: {  	_ =	shalt  }
0x4a: {  	_ =	shalt  }
0x4b: {  	_ =	shalt  }
0x4c: {  	_ =	shalt  }
0x4d: {  	_ =	shalt  }
0x4e: {  	_ =	shalt  }
0x4f: {  	_ =	shalt  }
0x50: {  	_ =	shalt  }
0x51: {  	_ =	shalt  }
0x52: {  	_ =	shalt  }
0x53: {  	_ =	shalt  }
0x54: {  	_ =	shalt  }
0x55: {  	_ =	shalt  }
0x56: {  	_ =	shalt  }
0x57: {  	_ =	shalt  }
0x58: {  	_ =	shalt  }
0x59: {  	_ =	shalt  }
0x5a: {  	_ =	shalt  }
0x5b: {  	_ =	shalt  }
0x5c: {  	_ =	shalt  }
0x5d: {  	_ =	shalt  }
0x5e: {  	_ =	shalt  }
0x5f: {  	_ =	shalt  }
0x60: {  	_ =	shalt  }
0x61: {  	_ =	shalt  }
0x62: {  	_ =	shalt  }
0x63: {  	_ =	shalt  }
0x64: {  	_ =	shalt  }
0x65: {  	_ =	shalt  }
0x66: {  	_ =	shalt  }
0x67: {  	_ =	shalt  }
0x68: {  	_ =	shalt  }
0x69: {  	_ =	shalt  }
0x6a: {  	_ =	shalt  }
0x6b: {  	_ =	shalt  }
0x6c: {  	_ =	shalt  }
0x6d: {  	_ =	shalt  }
0x6e: {  	_ =	shalt  }
0x6f: {  	_ =	shalt  }
0x70: {  	_ =	shalt  }
0x71: {  	_ =	shalt  }
0x72: {  	_ =	shalt  }
0x73: {  	_ =	shalt  }
0x74: {  	_ =	shalt  }
0x75: {  	_ =	shalt  }
0x76: {  	_ =	shalt  }
0x77: {  	_ =	shalt  }
0x78: {  	_ =	shalt  }
0x79: {  	_ =	shalt  }
0x7a: {  	_ =	shalt  }
0x7b: {  	_ =	shalt  }
0x7c: {  	_ =	shalt  }
0x7d: {  	_ =	shalt  }
0x7e: {  	_ =	shalt  }
0x7f: {  	_ =	shalt  }
0x80: {  	_ =	shalt  }
0x81: {  	_ =	shalt  }
0x82: {  	_ =	shalt  }
0x83: {  	_ =	shalt  }
0x84: {  	_ =	shalt  }
0x85: {  	_ =	shalt  }
0x86: {  	_ =	shalt  }
0x87: {  	_ =	shalt  }
.Lfunc_end0:
.L_simem_size_0:
called_computation_lowered:
.L_overlay_start_0:
0x88: {  	s2 =	sld [smem:$0x3FD9]  }
0x89: {  	s3 =	sld [smem:$0x3FFE];
	_ =	sdelay $0x1  }
0x8a: {  	s1 =	srdreg.scid  }
0x8b: {  	s0 =	sand.u32 $0x1, s1  }
0x8c: {  	s16 =	sshll.u32 s0, $0xA;
	s2 =	sadd.s32 s3, s2  }
0x8d: {  	s2 =	sadd.s32 s2, s16  }
0x8e: {  	[smem:$0x3FC3] =	sst s2  }
0x8f: {  	_ = 	snop  }
0x90: {  	(tm) =	ssettm $0x1  }
0x91: {  	s17 =	sld [smem:$0x3FFB];
	_ =	sdelay $0x3  }
0x92: {  	_ =	strace s17  }
0x93: {  	s2 =	sld [smem:$0x3FFC];
	_ =	sdelay $0x3  }
0x94: {  	_ =	strace s2  }
0x95: {  	s2 =	sld [smem:$0x3FFD];
	_ =	sdelay $0x3  }
0x96: {  	_ =	strace s2  }
0x97: {  	_ =	strace $0x8FFFFFFF  }
0x98: {  	s18 =	sld [smem:$0x3FDB];
	_ =	sdelay $0x1  }
0x99: {  	s19 =	simm.s32 $_scs_section_size  }
0x9a: {  	s4 =	simm.s32 $_size__tile_overlayer_lowered;
	s5 =	simm.s32 $_tile_overlayer_lowered  }
0x9b: {  	s22 =	simm.s32 $0x1BFF;
	s21 =	sshll.u32 s5, $0x1;
	s2 =	sadd.s32 s19, s18  }
0x9c: {  	s6 =	simm.s32 $0x0;
	s20 =	sshll.u32 s4, $0x1;
	s4 =	sadd.s32 s21, s2  }
0x9d: {  	[timem:s6], [sflag:s22] =	dma.local [hbm:s4], s20  }
0x9e: {  	_ =	swait.ge [sflag:s22], s20  }
0x9f: {  	s3 =	ssub.s32 $0x0, s20;
	[sflag:s22] =	ssyncset.done $0x0  }
0xa0: {  	[sflag:s22] =	ssyncadd.s32 s3;
	_ =	sdelay $0x1  }
0xa1: {  	s23 =	simm.s32 $0x1B8B  }
0xa2: {  	_ =	swait.ge [sflag:s23], $0x1  }
0xa3: {  	[sflag:s23] =	ssyncset.done $0x0  }
0xa4: {  	s25 =	simm.s32 $0x1B8E;
	s24 =	sld [smem:$0x3FFE];
	[sflag:s23] =	ssyncadd.s32 $0xFFFFFFFF  }
0xa5: {  	s26 =	simm.s32 $execute0_lowered;
	[smem:$0x3FD2] =	sst s25  }
0xa6: {  	s4 =	sshll.u32 s26, $0x1;
	_ =	strace $0x80000046;
	[dreg:$0x1] =	wrdreg $0xFFFFFFFF  }
0xa7: {  	s28 =	simm.s32 $_size_execute0_lowered;
	s2 =	sadd.s32 s2, s4;
	[dreg:$0x0] =	wrdreg $0x0  }
0xa8: {  	s4 =	sshll.u32 s28, $0x1;
	[dreg:$0x2] =	wrdreg s2  }
0xa9: {  	[dreg:$0x3] =	wrdreg s4  }
0xaa: {  	[dreg:$0x4] =	wrdreg $0xC0  }
0xab: {  	_ =	task [dreg:s6], $0x5FFFF  }
0xac: {  	[dreg:$0x1] =	wrdreg $0xFFFFFFFF  }
0xad: {  	[dreg:$0x0] =	wrdreg $0x60  }
0xae: {  	[dreg:$0x2] =	wrdreg s24  }
0xaf: {  	[dreg:$0x3] =	wrdreg $0x9  }
0xb0: {  	_ =	task.clear_ibuf [dreg:s6], $0x4FFFF;
	_ =	strace $0x90000046  }
0xb1: {  	s29 =	simm.s32 $0x9;
	_ =	strace $0x80000048  }
0xb2: {  	_ =	swait.ge [sflag:s29], $0x1  }
0xb3: {  	[sflag:s29] =	ssyncadd.s32 $0xFFFFFFFF  }
0xb4: {  	_ =	strace $0x90000048  }
0xb5: {  	_ =	sfence  }
0xb6: {  	s30 =	sld [smem:$0x0];
	_ =	sdelay $0x2  }
0xb7: {  	s31 =	sshll.u32 s1, $0xD;
	s1 =	sshrl.u32 s1, $0x2  }
0xb8: {  	s3 =	sand.u32 $0x4000, s31;
	s1 =	sadd.s32 s1, s30  }
0xb9: {  	s0 =	sor.u32 s3, s0;
	s1 =	sshll.u32 s1, $0x11  }
0xba: {  	s0 =	sor.u32 s1, s0  }
0xbb: {  	s0 =	sadd.s32 $0x8F2B, s0  }
0xbc: {  	[sflag:s0] =	ssyncadd.remote.s32 $0x1  }
0xbd: {  	_ =	sfence.sel $0xFFFF  }
0xbe: {  	[dreg:$0x0] =	wrdreg $0xFFFFFFFF;
	(pc) =	sbr.abs _section_cstart, $3  }
0xbf: {  	[dreg:$0x1] =	wrdreg $0xFFFFFFFF  }
0xc0: {  	_ =	task.clear_ibuf [dreg:s6], $0x2FFFF;
	_ =	strace $0x9FFFFFFF  }
0xc1: {  	(tm) =	ssettm $0x7FFFFFFF  }
tec
execute0_lowered:
.L_overlay_start_1:
0x0: {  	(tag) =	ssettag $0x1  }
0x1: {  	s7 =	rddreg [dreg:$0x0]  }
0x2: {  	s0 =	rddreg [dreg:$0x1];
	_ =	strace $0x80000047  }
0x3: {  	s1 =	srdreg.scid;
	s4 =	simm.s32 $0x1;
	s9 =	simm.s32 $0x3  }
0x4: {  	s11 =	simm.s32 $0x0;
	p0 =	por $0x0, $0x0;
	s5 =	sshll.u32 s1, $0x4  }
.Ltmp0:
0x5: {  	s1 =	stileid.u32;
	s5 =	sand.u32 $0x10, s5;
	(pc) =	sbr.rel .LBB2_1-.Ltmp0, $4  }
0x6: {  	s2 =	sadd.s32 $0x17EC00, s7;
	s3 =	sadd.s32 $0x17EA00, s7;
	s6 =	sor.u32 s1, s5  }
0x7: {  	[sflag:s4] =	ssyncpa.u1 $0x0;
	s5 =	simm.s32 $0x2;
	s6 =	sshll.u32 s6, $0x6  }
0x8: {  	s7 =	sadd.s32 $0x2600, s7;
	[sflag:s5] =	ssyncpa.u1 $0x0;
	s8 =	sadd.s32 $0x40, s6  }
0x9: {  	vm0 =	vmmov $0xff;
	vm1 =	vcmask $0x3F20;
	[sflag:s9] =	ssyncpa.u1 $0x0;
	s10 =	smov.u32 s6;
	s9 =	simm.s32 $0x0  }
.LBB2_9:
0xa: {  	p1 =	slt.u32 s9, $0x2;
	s11 =	sadd.s32 $0x20, s10  }
0xb: {  	s13 =	smov.u32 s6;
	s9 =	sadd.s32 $0x1, s9;
	p2 =	slt.s32 s11, s8  }
0xc: {  	s13 =	smov.u32 @p2 s11;
	p2 =	sne.s32 s9, $0x4  }
.Ltmp1:
0xd: {  	_ = 	snop;
	(pc) =	sbr.rel @!p2 .LBB2_10-.Ltmp1, $4  }
0xe: {  	s12 =	simm.s32 @!p1 $0x3  }
0xf: {  	_ =	swait.ge @!p1 [sflag:s12], $0x8000  }
0x10: {  	p0 =	por !p0, !p0;
	[sflag:s12] =	ssyncset.done @!p1 $0x0  }
0x11: {  	s11 =	smov.u32 s10;
	s10 =	smov.u32 s13;
	[sflag:s12] =	ssyncadd.s32 @!p1 $0xFFFF8000  }
.LBB2_1:
0x12: {  	p1 =	sgt.u32 s9, $0x1  }
0x13: {  	s12 =	sshll.u32 @!p1 s9, $0x5;
	s13 =	sshrl.u32 @!p1 s10, $0x3  }
0x14: {  	s14 =	sand.u32 @!p1 $0x7, s10;
	s12 =	sxor.u32 @!p1 $0x20, s12;
	s13 =	sadd.s32 @!p1 s3, s13  }
0x15: {  	[tilespmem:s12], [sflag:$0x2] =	stream.linear.gather @!p1 [hbm4b:s13+s14], $0x20, $0x38;
	[tilespmem:$0x10040] =	vst v63  }
0x16: {  	p1 =	seq.s32 s9, $0x0  }
0x17: {  	p2 =	seq.s32 @!p1 s9, $0x3  }
0x18: {  	p1 =	por p1, p2  }
.Ltmp2:
0x19: {  	_ = 	snop;
	(pc) =	sbr.rel @p1 .LBB2_9-.Ltmp2, $1  }
0x1a: {  	_ =	sdelay $0x3  }
0x1b: {  	s12 =	simm.s32 $0x1  }
0x1c: {  	_ =	swait.ge [sflag:s5], $0x20;
	s13 =	sand.u32 $0x1, s9;
	s12 =	simm.s32 @!p0 $0x0  }
0x1d: {  	s15 =	simm.s32 $0x0;
	p2 =	por $0x1, $0x1;
	s12 =	sshll.u32 s12, $0x11  }
0x1e: {  	[sflag:s5] =	ssyncset.done $0x0;
	s13 =	sshll.u32 s13, $0x5;
	s14 =	sshrl.u32 s12, $0x2  }
0x1f: {  	[sflag:s5] =	ssyncadd.s32 $0xFFFFFFE0;
	s12 =	sor.u32 $0x40, s14;
	s14 =	sadd.s32 $0x40, s14  }
.LBB2_3:
0x20: {  	s16 =	sshll.u32 s15, $0x4  }
0x21: {  	s16 =	sand.u32 $0x3FFFFFF0, s16  }
0x22: {  	s16 =	sadd.s32 s16, s13  }
0x23: {  	v0 =	vld.msk [tilespmem:s16+$0x0 ss:$0x1], $0xffff;
	_ =	sdelay $0x4  }
0x24: {  	vm2 =	vgt.s32 v0, $0x0  }
0x25: {  	v0 =	vnsel vm2, $0x0, v0  }
0x26: {  	v0 =	vmin.u32 v0, $0x2F7F  }
0x27: {  	v1 =	vshll.u32 v0, $0x7;
	v0 =	vshll.u32 v0, $0x4  }
0x28: {  	v1 =	vand.u32 $0x1FFC00, v1;
	v0 =	vand.u32 $0x70, v0  }
0x29: {  	v0 =	vor.u32 v0, v1  }
0x2a: {  	s31 =	sshll.u32 s15, $0x10  }
0x2b: {  	s15 =	sshra.s32 s31, $0x2  }
0x2c: {  	s15 =	sadd.s32 s15, s14  }
0x2d: {  	s17 =	sadd.s32 $0x0, s15  }
0x2e: {  	[tilespmem:s17], [sflag:$0x1] =	stream.indirect_vreg.gather [hbm:s2], $0x80, v0, vm0, $0x38;
	[tilespmem:$0x10040] =	vst v63  }
0x2f: {  	p1 =	por p2, p2;
	s16 =	simm.s32 $0x1000;
	v1 =	vadd.s32 $0x80, v0;
	s17 =	sadd.s32 $0x2000, s17  }
.LBB2_4:
0x30: {  	[tilespmem:s17], [sflag:$0x1] =	stream.indirect_vreg.gather [hbm:s2], $0x80, v0, vm1, $0x38;
	[tilespmem:$0x10040] =	vst v63  }
0x31: {  	v0 =	vmov v1;
	s17 =	smov.u32 s16;
	p2 =	sne.s32 s16, $0x7000  }
.Ltmp3:
0x32: {  	s16 =	sadd.s32 $0x1000, s16;
	(pc) =	sbr.rel @p2 .LBB2_4-.Ltmp3, $4  }
0x33: {  	s17 =	sshra.s32 s17, $0x2  }
0x34: {  	s17 =	sadd.s32 s17, s15  }
0x35: {  	[tilespmem:s17], [sflag:$0x1] =	stream.indirect_vreg.gather [hbm:s2], $0x80, v1, vm0, $0x38;
	[tilespmem:$0x10040] =	vst v63  }
0x36: {  	s17 =	sadd.s32 $0x2000, s17;
	v1 =	vadd.s32 $0x80, v1  }
0x37: {  	_ = 	snop  }
.Ltmp4:
0x38: {  	_ = 	snop;
	(pc) =	sbr.rel @p1 .LBB2_3-.Ltmp4, $3  }
0x39: {  	_ =	sdelay $0x1  }
0x3a: {  	[tilespmem:s17], [sflag:$0x1] =	stream.indirect_vreg.gather [hbm:s2], $0x80, v0, vm1, $0x38;
	[tilespmem:$0x10040] =	vst v63  }
0x3b: {  	s15 =	simm.s32 $0x1;
	p2 =	por $0x0, $0x0  }
0x3c: {  	s13 =	sshll.u32 s11, $0x7  }
0x3d: {  	s31 =	sshll.u32 s11, $0x4;
	s13 =	sand.u32 $0xFFFFFC00, s13  }
0x3e: {  	_ =	swait.ge [sflag:s4], $0x8000;
	s11 =	sand.u32 $0x70, s31;
	s13 =	sadd.s32 s13, s7  }
0x3f: {  	s14 =	sadd.s32 $0x2000, s12;
	[sflag:s4] =	ssyncset.done $0x0;
	s11 =	sadd.s32 s11, s13  }
0x40: {  	[sflag:s4] =	ssyncadd.s32 $0xFFFF8000;
	s13 =	simm.s32 $0x400;
	s15 =	sadd.s32 $0x0, s11  }
.LBB2_7:
0x41: {  	[hbm:s15] =	stream.linear.scatter [tilespmem:s12], [sflag:$0x3], $0x2000, $0x38;
	[tilespmem:$0x10040] =	vst v63  }
0x42: {  	s15 =	smov.u32 s13;
	s12 =	smov.u32 s14;
	p1 =	sne.s32 s13, $0xC00  }
.Ltmp5:
0x43: {  	s13 =	sadd.s32 $0x400, s13;
	(pc) =	sbr.rel @p1 .LBB2_7-.Ltmp5, $2  }
0x44: {  	_ =	sdelay $0x2  }
0x45: {  	s14 =	sadd.s32 $0x2000, s14;
	s15 =	sadd.s32 s15, s11  }
.Ltmp6:
0x46: {  	(pc) =	sbr.rel .LBB2_9-.Ltmp6, $2  }
0x47: {  	_ =	sdelay $0x2  }
0x48: {  	[hbm:s15] =	stream.linear.scatter [tilespmem:s12], [sflag:$0x3], $0x2000, $0x38;
	[tilespmem:$0x10040] =	vst v63  }
.LBB2_10:
0x49: {  	_ =	sfence.sel $0x180000  }
0x4a: {  	s2 =	simm.s32 $0x2;
	[bflag:$0x0] =	sbarrier.arrive $0xFFFF  }
0x4b: {  	s30 =	simm.s32 $0x3;
	[sflag:s2] =	ssyncpa.u1 $0x1  }
0x4c: {  	s31 =	simm.s32 $0x1;
	[sflag:s30] =	ssyncpa.u1 $0x1  }
0x4d: {  	[sflag:s31] =	ssyncpa.u1 $0x1  }
0x4e: {  	p0 =	sne.s32 s1, $0x0;
	_ =	strace $0x90000047  }
0x4f: {  	s0 =	sadd.s32 @!p0 $0x100000, s0;
	[bflag:$0x2] =	sbarrier.arrive $0xFFFF  }
0x50: {  	[sflag:s0] =	ssyncadd.tile.s32 @!p0 $0x1;
	_ =	shalt  }
.Lfunc_end2:
_tile_overlayer_lowered:
.L_overlay_start_2:
0x51: {  	(tag) =	ssettag $0x2  }
0x52: {  	s0 =	rddreg [dreg:$0x0];
	s2 =	stileid.u32  }
0x53: {  	s1 =	rddreg [dreg:$0x1];
	p0 =	sne.s32 s2, $0x0  }
0x54: {  	s3 =	rddreg [dreg:$0x2];
	[bflag:$0x3] =	sbarrier.arrive $0xFFFF;
	s2 =	simm.s32 @!p0 $0x1C01  }
0x55: {  	[timem:s3], [sflag:s2] =	dma.local @!p0 [hbm:s0], s1  }
0x56: {  	s0 =	simm.s32 @!p0 $0x1  }
0x57: {  	_ =	swait.ge @!p0 [sflag:s0], s1  }
0x58: {  	s1 =	ssub.s32 @!p0 $0x0, s1;
	[sflag:s0] =	ssyncset.done @!p0 $0x0  }
0x59: {  	[sflag:s0] =	ssyncadd.s32 @!p0 s1  }
0x5a: {  	[bflag:$0x3] =	sbarrier.arrive $0xFFFF  }
0x5b: {  	_ =	shalt  }

</sc_bundles>
